<compile_context>
chip_gen: v7x
topology: tpu7x:2x2x1
jax: 0.10.2.dev20260603
libtpu: 0.0.44.dev20260713+nightly
codegen_flags: <defaults>
</compile_context>

<pallas_src>
import functools

import jax
import jax.numpy as jnp
from jax import lax
from jax.experimental import pallas as pl
from jax.experimental.pallas import tpu as pltpu
from jax.experimental.pallas import tpu_sc as plsc

N = 10000
NP = 10240
E = 160000
EP = 163840
D = 256
DH = 128
NC, NS = 2, 16
CH = 128
DEG_CHUNKS = EP // (NC * NS) // CH
MAIN_CHUNKS = EP // (NS * CH)
RPT = NP // NS
BLK = 2048

_mesh = plsc.VectorSubcoreMesh(core_axis_name="c", subcore_axis_name="s")


@functools.partial(
    pl.kernel,
    out_type=jax.ShapeDtypeStruct((NC, NP), jnp.float32),
    mesh=_mesh,
    scratch_types=[
        pltpu.VMEM((DEG_CHUNKS, CH), jnp.int32),
        pltpu.VMEM((RPT,), jnp.float32),
        pltpu.VMEM((CH,), jnp.float32),
        pltpu.VMEM_SHARED((NP,), jnp.float32),
    ],
)
def _deg_kernel(rows_hbm, out_hbm, idx_v, zbuf, ones_v, deg_sh):
    c = lax.axis_index("c")
    s = lax.axis_index("s")

    def zfill(i, _):
        zbuf[pl.ds(i * 16, 16)] = jnp.zeros((16,), jnp.float32)
        return 0

    lax.fori_loop(0, RPT // 16, zfill, 0)
    for u in range(CH // 16):
        ones_v[pl.ds(u * 16, 16)] = jnp.ones((16,), jnp.float32)

    pltpu.sync_copy(zbuf, deg_sh.at[pl.ds(s * RPT, RPT)])
    pltpu.sync_copy(rows_hbm.at[c, s], idx_v)
    plsc.subcore_barrier()

    def body(j, _):
        pltpu.sync_copy(ones_v, deg_sh.at[idx_v.at[j]], add=True)
        return 0

    lax.fori_loop(0, DEG_CHUNKS, body, 0)
    plsc.subcore_barrier()
    pltpu.sync_copy(deg_sh.at[pl.ds(s * RPT, RPT)],
                    out_hbm.at[c].at[pl.ds(s * RPT, RPT)])


@functools.partial(
    pl.kernel,
    out_type=jax.ShapeDtypeStruct((NC, NP, DH), jnp.float32),
    mesh=_mesh,
    scratch_types=[
        pltpu.VMEM((MAIN_CHUNKS // 2, CH), jnp.int32),
        pltpu.VMEM((MAIN_CHUNKS // 2, CH), jnp.int32),
        pltpu.VMEM((CH, DH), jnp.float32),
        pltpu.VMEM((CH, DH), jnp.float32),
        pltpu.VMEM_SHARED((NP, DH), jnp.float32),
        pltpu.SemaphoreType.DMA,
        pltpu.SemaphoreType.DMA,
    ],
)
def _edge_kernel(hd2_hbm, gidx_hbm, cidx_hbm, out_hbm,
                 gidx_v, cidx_v, rows_v0, rows_v1, acc_sh, sem0, sem1):
    c = lax.axis_index("c")
    s = lax.axis_index("s")

    def zfill(i, _):
        for u in range(DH // 16):
            rows_v0[i, pl.ds(u * 16, 16)] = jnp.zeros((16,), jnp.float32)
        return 0

    lax.fori_loop(0, CH, zfill, 0)
    for b in range(RPT // CH):
        pltpu.sync_copy(rows_v0, acc_sh.at[pl.ds(s * RPT + b * CH, CH)])

    plsc.subcore_barrier()

    HP = MAIN_CHUNKS // 2
    for phase in range(2):
        pltpu.sync_copy(gidx_hbm.at[c, s].at[pl.ds(phase * HP, HP)], gidx_v)
        pltpu.sync_copy(cidx_hbm.at[s].at[pl.ds(phase * HP, HP)], cidx_v)
        pltpu.async_copy(hd2_hbm.at[gidx_v.at[0]], rows_v0, sem0)

        def body(j, _):
            a = 2 * j
            b = a + 1
            pltpu.make_async_copy(
                hd2_hbm.at[gidx_v.at[a]], rows_v0, sem0).wait()
            pltpu.async_copy(hd2_hbm.at[gidx_v.at[b]], rows_v1, sem1)
            pltpu.sync_copy(rows_v0, acc_sh.at[cidx_v.at[a]], add=True)

            @pl.when(j < HP // 2 - 1)
            def _():
                pltpu.async_copy(hd2_hbm.at[gidx_v.at[a + 2]], rows_v0, sem0)

            pltpu.make_async_copy(
                hd2_hbm.at[gidx_v.at[b]], rows_v1, sem1).wait()
            pltpu.sync_copy(rows_v1, acc_sh.at[cidx_v.at[b]], add=True)
            return 0

        lax.fori_loop(0, HP // 2, body, 0)
    plsc.subcore_barrier()
    pltpu.sync_copy(acc_sh.at[pl.ds(s * RPT, RPT)],
                    out_hbm.at[c].at[pl.ds(s * RPT, RPT)])


@functools.partial(
    pl.pallas_call,
    grid=(NP // BLK,),
    in_specs=[
        pl.BlockSpec((BLK, D), lambda i: (i, 0)),
        pl.BlockSpec((D, D), lambda i: (0, 0)),
        pl.BlockSpec((NC, BLK), lambda i: (0, i)),
    ],
    out_specs=[
        pl.BlockSpec((BLK, D), lambda i: (i, 0)),
        pl.BlockSpec((BLK,), lambda i: (i,)),
    ],
    out_shape=[
        jax.ShapeDtypeStruct((NP, D), jnp.float32),
        jax.ShapeDtypeStruct((NP,), jnp.float32),
    ],
)
def _matmul_scale(x_ref, w_ref, degp_ref, hd_ref, d_ref):
    deg = 1.0 + degp_ref[0, :] + degp_ref[1, :]
    d = lax.rsqrt(deg)
    h = jnp.dot(x_ref[...], w_ref[...], preferred_element_type=jnp.float32)
    hd_ref[...] = h * d[:, None]
    d_ref[...] = d


@functools.partial(
    pl.pallas_call,
    grid=(NP // BLK,),
    in_specs=[
        pl.BlockSpec((NC, BLK, DH), lambda i: (0, i, 0)),
        pl.BlockSpec((BLK, D), lambda i: (i, 0)),
        pl.BlockSpec((BLK,), lambda i: (i,)),
    ],
    out_specs=pl.BlockSpec((BLK, D), lambda i: (i, 0)),
    out_shape=jax.ShapeDtypeStruct((NP, D), jnp.float32),
)
def _finalize(acc_ref, hd_ref, d_ref, out_ref):
    d = d_ref[...][:, None]
    out_ref[:, :DH] = d * (acc_ref[0] + hd_ref[:, :DH])
    out_ref[:, DH:] = d * (acc_ref[1] + hd_ref[:, DH:])


def kernel(x, edge_index, W):
    row = edge_index[0]
    col = edge_index[1]

    trash = jnp.full((EP - E,), NP - 1, jnp.int32)
    rows_deg = jnp.concatenate([row, trash]).reshape(NC, NS, DEG_CHUNKS, CH)
    degp = _deg_kernel(rows_deg)

    xp = jnp.pad(x, ((0, NP - N), (0, 0)))
    hd, d = _matmul_scale(xp, W, degp)

    rowp = jnp.concatenate([row, jnp.zeros((EP - E,), jnp.int32)])
    g0 = (rowp * 2).reshape(NS, MAIN_CHUNKS, CH)
    gidx = jnp.stack([g0, g0 + 1])
    cidx = jnp.concatenate([col, trash]).reshape(NS, MAIN_CHUNKS, CH)
    hd2 = hd.reshape(NP * 2, DH)
    acc = _edge_kernel(hd2, gidx, cidx)

    out = _finalize(acc, hd, d)
    return out[:N]

# --- scband reference (transcript-rebuilt; emitter-appended) ---
"""Pipeline reference for scband-general-conv-17008070492324 (READ-ONLY COPY).

The authoritative reference and input builder live on the scoring server;
editing this copy changes nothing except your own understanding.
"""

import jax, jax.numpy as jnp
import numpy as np

N_NODES = 10000
N_EDGES = 160000
D_IN = 256
D_OUT = 256


def setup_inputs(seed: int = 0) -> dict:
    key = jax.random.key(seed)
    k1, k2, k3 = jax.random.split(key, 3)
    x = jax.random.normal(k1, (N_NODES, D_IN), dtype=jnp.float32)
    edge_index = jax.random.randint(k2, (2, N_EDGES), 0, N_NODES, dtype=jnp.int32)
    # Glorot-uniform weight as in PyG GeneralConvLayer (in_channels x out_channels)
    limit = float(np.sqrt(6.0 / (D_IN + D_OUT)))
    W = jax.random.uniform(k3, (D_IN, D_OUT), dtype=jnp.float32, minval=-limit, maxval=limit)
    return {"x": x, "edge_index": edge_index, "W": W}


def reference(x, edge_index, W):
    # GraphGym GeneralConvLayer == GCN-style conv: linear transform, add self-loops,
    # symmetric normalization, scatter-add aggregation (source_to_target flow).
    N = x.shape[0]
    h = x @ W
    loop = jnp.arange(N, dtype=edge_index.dtype)
    ei = jnp.concatenate([edge_index, jnp.stack([loop, loop])], axis=1)
    row, col = ei[0], ei[1]  # row = source (j), col = target (i)
    ew = jnp.ones((ei.shape[1],), dtype=h.dtype)
    deg = jnp.zeros((N,), dtype=h.dtype).at[row].add(ew)
    deg_inv_sqrt = jnp.where(deg > 0, jax.lax.rsqrt(deg), 0.0)
    norm = deg_inv_sqrt[row] * ew * deg_inv_sqrt[col]
    msgs = norm[:, None] * jnp.take(h, row, axis=0)
    out = jnp.zeros((N, h.shape[1]), dtype=h.dtype).at[col].add(msgs)
    return out

if __name__ == "__main__":
    import jax
    _d = setup_inputs()
    print(jax.jit(kernel)(*tuple(_d.values())))

</pallas_src>

<mosaic_0001>
#map = affine_map<(d0, d1) -> (0, 0)>
#map1 = affine_map<(d0, d1) -> (0, 0, 0, 0)>
#map2 = affine_map<(d0, d1) -> (0, 0, 0)>
module attributes {stable_mosaic.version = 14 : i64} {
  func.func @_edge_kernel(%arg0: i32, %arg1: i32, %arg2: memref<20480x128xf32, #tpu.memory_space<hbm>>, %arg3: memref<2x16x80x128xi32, #tpu.memory_space<hbm>>, %arg4: memref<16x80x128xi32, #tpu.memory_space<hbm>>, %arg5: memref<2x10240x128xf32, #tpu.memory_space<hbm>>, %arg6: memref<40x128xi32, #tpu.memory_space<vmem>>, %arg7: memref<40x128xi32, #tpu.memory_space<vmem>>, %arg8: memref<128x128xf32, #tpu.memory_space<vmem>>, %arg9: memref<128x128xf32, #tpu.memory_space<vmem>>, %arg10: memref<10240x128xf32, #tpu.memory_space<vmem_shared>>, %arg11: memref<!tpu.dma_semaphore, #tpu.memory_space<semaphore_mem>>, %arg12: memref<!tpu.dma_semaphore, #tpu.memory_space<semaphore_mem>>) attributes {dimension_semantics = [#tpu.dimension_semantics<core_parallel>, #tpu.dimension_semantics<subcore_parallel>], iteration_bounds = array<i64: 2, 16>, scalar_prefetch = 0 : i64, scratch_operands = 7 : i64, tpu.core_type = #tpu.core_type<sc_vector_subcore>, window_params = [{transform_indices = #map}, {transform_indices = #map1}, {transform_indices = #map2}, {transform_indices = #map2}]} {
    %scan3A = arith.constant 0 : i32
    %scan3A_0 = arith.constant 0 : i32
    %scan3A_1 = arith.constant 128 : i32
    %scan3A_2 = arith.addi %scan3A_0, %scan3A_1 : i32
    %scan3A_3 = arith.constant 1 : i32
    %scan3A_4 = scf.for %scan3A_56 = %scan3A_0 to %scan3A_2 step %scan3A_3 iter_args(%scan3A_57 = %scan3A) -> (i32)  : i32 {
      %broadcast_in_dim3A = arith.constant 0.000000e+00 : f32
      %broadcast_in_dim3A_58 = vector.broadcast %broadcast_in_dim3A : f32 to vector<16xf32>
      %swap3A = arith.index_cast %scan3A_56 : i32 to index
      %swap3A_59 = arith.constant 0 : index
      %swap3A_60 = tpu.vector_load %arg8[%swap3A, %swap3A_59] {strides = array<i32>} : memref<128x128xf32, #tpu.memory_space<vmem>>, vector<1x16xf32>,
      %swap3A_61 = vector.shape_cast %swap3A_60 : vector<1x16xf32> to vector<16xf32>
      %swap3A_62 = vector.shape_cast %broadcast_in_dim3A_58 : vector<16xf32> to vector<1x16xf32>
      tpu.vector_store %arg8[%swap3A, %swap3A_59], %swap3A_62 {strides = array<i32>} : memref<128x128xf32, #tpu.memory_space<vmem>>, vector<1x16xf32>,
      %broadcast_in_dim3A_63 = arith.constant 0.000000e+00 : f32
      %broadcast_in_dim3A_64 = vector.broadcast %broadcast_in_dim3A_63 : f32 to vector<16xf32>
      %swap3A_65 = arith.index_cast %scan3A_56 : i32 to index
      %swap3A_66 = arith.constant 16 : index
      %swap3A_67 = tpu.vector_load %arg8[%swap3A_65, %swap3A_66] {strides = array<i32>} : memref<128x128xf32, #tpu.memory_space<vmem>>, vector<1x16xf32>,
      %swap3A_68 = vector.shape_cast %swap3A_67 : vector<1x16xf32> to vector<16xf32>
      %swap3A_69 = vector.shape_cast %broadcast_in_dim3A_64 : vector<16xf32> to vector<1x16xf32>
      tpu.vector_store %arg8[%swap3A_65, %swap3A_66], %swap3A_69 {strides = array<i32>} : memref<128x128xf32, #tpu.memory_space<vmem>>, vector<1x16xf32>,
      %broadcast_in_dim3A_70 = arith.constant 0.000000e+00 : f32
      %broadcast_in_dim3A_71 = vector.broadcast %broadcast_in_dim3A_70 : f32 to vector<16xf32>
      %swap3A_72 = arith.index_cast %scan3A_56 : i32 to index
      %swap3A_73 = arith.constant 32 : index
      %swap3A_74 = tpu.vector_load %arg8[%swap3A_72, %swap3A_73] {strides = array<i32>} : memref<128x128xf32, #tpu.memory_space<vmem>>, vector<1x16xf32>,
      %swap3A_75 = vector.shape_cast %swap3A_74 : vector<1x16xf32> to vector<16xf32>
      %swap3A_76 = vector.shape_cast %broadcast_in_dim3A_71 : vector<16xf32> to vector<1x16xf32>
      tpu.vector_store %arg8[%swap3A_72, %swap3A_73], %swap3A_76 {strides = array<i32>} : memref<128x128xf32, #tpu.memory_space<vmem>>, vector<1x16xf32>,
      %broadcast_in_dim3A_77 = arith.constant 0.000000e+00 : f32
      %broadcast_in_dim3A_78 = vector.broadcast %broadcast_in_dim3A_77 : f32 to vector<16xf32>
      %swap3A_79 = arith.index_cast %scan3A_56 : i32 to index
      %swap3A_80 = arith.constant 48 : index
      %swap3A_81 = tpu.vector_load %arg8[%swap3A_79, %swap3A_80] {strides = array<i32>} : memref<128x128xf32, #tpu.memory_space<vmem>>, vector<1x16xf32>,
      %swap3A_82 = vector.shape_cast %swap3A_81 : vector<1x16xf32> to vector<16xf32>
      %swap3A_83 = vector.shape_cast %broadcast_in_dim3A_78 : vector<16xf32> to vector<1x16xf32>
      tpu.vector_store %arg8[%swap3A_79, %swap3A_80], %swap3A_83 {strides = array<i32>} : memref<128x128xf32, #tpu.memory_space<vmem>>, vector<1x16xf32>,
      %broadcast_in_dim3A_84 = arith.constant 0.000000e+00 : f32
      %broadcast_in_dim3A_85 = vector.broadcast %broadcast_in_dim3A_84 : f32 to vector<16xf32>
      %swap3A_86 = arith.index_cast %scan3A_56 : i32 to index
      %swap3A_87 = arith.constant 64 : index
      %swap3A_88 = tpu.vector_load %arg8[%swap3A_86, %swap3A_87] {strides = array<i32>} : memref<128x128xf32, #tpu.memory_space<vmem>>, vector<1x16xf32>,
      %swap3A_89 = vector.shape_cast %swap3A_88 : vector<1x16xf32> to vector<16xf32>
      %swap3A_90 = vector.shape_cast %broadcast_in_dim3A_85 : vector<16xf32> to vector<1x16xf32>
      tpu.vector_store %arg8[%swap3A_86, %swap3A_87], %swap3A_90 {strides = array<i32>} : memref<128x128xf32, #tpu.memory_space<vmem>>, vector<1x16xf32>,
      %broadcast_in_dim3A_91 = arith.constant 0.000000e+00 : f32
      %broadcast_in_dim3A_92 = vector.broadcast %broadcast_in_dim3A_91 : f32 to vector<16xf32>
      %swap3A_93 = arith.index_cast %scan3A_56 : i32 to index
      %swap3A_94 = arith.constant 80 : index
      %swap3A_95 = tpu.vector_load %arg8[%swap3A_93, %swap3A_94] {strides = array<i32>} : memref<128x128xf32, #tpu.memory_space<vmem>>, vector<1x16xf32>,
      %swap3A_96 = vector.shape_cast %swap3A_95 : vector<1x16xf32> to vector<16xf32>
      %swap3A_97 = vector.shape_cast %broadcast_in_dim3A_92 : vector<16xf32> to vector<1x16xf32>
      tpu.vector_store %arg8[%swap3A_93, %swap3A_94], %swap3A_97 {strides = array<i32>} : memref<128x128xf32, #tpu.memory_space<vmem>>, vector<1x16xf32>,
      %broadcast_in_dim3A_98 = arith.constant 0.000000e+00 : f32
      %broadcast_in_dim3A_99 = vector.broadcast %broadcast_in_dim3A_98 : f32 to vector<16xf32>
      %swap3A_100 = arith.index_cast %scan3A_56 : i32 to index
      %swap3A_101 = arith.constant 96 : index
      %swap3A_102 = tpu.vector_load %arg8[%swap3A_100, %swap3A_101] {strides = array<i32>} : memref<128x128xf32, #tpu.memory_space<vmem>>, vector<1x16xf32>,
      %swap3A_103 = vector.shape_cast %swap3A_102 : vector<1x16xf32> to vector<16xf32>
      %swap3A_104 = vector.shape_cast %broadcast_in_dim3A_99 : vector<16xf32> to vector<1x16xf32>
      tpu.vector_store %arg8[%swap3A_100, %swap3A_101], %swap3A_104 {strides = array<i32>} : memref<128x128xf32, #tpu.memory_space<vmem>>, vector<1x16xf32>,
      %broadcast_in_dim3A_105 = arith.constant 0.000000e+00 : f32
      %broadcast_in_dim3A_106 = vector.broadcast %broadcast_in_dim3A_105 : f32 to vector<16xf32>
      %swap3A_107 = arith.index_cast %scan3A_56 : i32 to index
      %swap3A_108 = arith.constant 112 : index
      %swap3A_109 = tpu.vector_load %arg8[%swap3A_107, %swap3A_108] {strides = array<i32>} : memref<128x128xf32, #tpu.memory_space<vmem>>, vector<1x16xf32>,
      %swap3A_110 = vector.shape_cast %swap3A_109 : vector<1x16xf32> to vector<16xf32>
      %swap3A_111 = vector.shape_cast %broadcast_in_dim3A_106 : vector<16xf32> to vector<1x16xf32>
      tpu.vector_store %arg8[%swap3A_107, %swap3A_108], %swap3A_111 {strides = array<i32>} : memref<128x128xf32, #tpu.memory_space<vmem>>, vector<1x16xf32>,
      %scan3A_112 = arith.constant 0 : i32
      scf.yield %scan3A_112 : i32
    }
    %scan3A_5 = arith.constant 128 : i32
    %mul3A = arith.constant 640 : i32
    %mul3A_6 = arith.muli %arg1, %mul3A : i32
    %add3A = arith.constant 0 : i32
    %add3A_7 = arith.addi %mul3A_6, %add3A : i32
    "tpu.region"() ({
      %run_scoped3A = tpu.sem_alloc : memref<!tpu.dma_semaphore, #tpu.memory_space<semaphore_mem>>
      %dma_start3A_56 = arith.constant 0 : i32
      %dma_start3A_57 = tpu.memref_slice %arg10[%add3A_7, %dma_start3A_56] : memref<10240x128xf32, #tpu.memory_space<vmem_shared>> -> memref<128x128xf32, #tpu.memory_space<vmem_shared>>
      %dma_start3A_58 = arith.constant 0 : i32
      %dma_start3A_59 = tpu.memref_slice %arg10[%add3A_7, %dma_start3A_58] : memref<10240x128xf32, #tpu.memory_space<vmem_shared>> -> memref<128x128xf32, #tpu.memory_space<vmem_shared>>
      tpu.enqueue_dma source(%arg8 : memref<128x128xf32, #tpu.memory_space<vmem>>) target(%dma_start3A_59 : memref<128x128xf32, #tpu.memory_space<vmem_shared>>) target_semaphore(%run_scoped3A : memref<!tpu.dma_semaphore, #tpu.memory_space<semaphore_mem>>)
      %dma_wait3A = arith.constant 0 : i32
      %dma_wait3A_60 = tpu.memref_slice %arg10[%add3A_7, %dma_wait3A] : memref<10240x128xf32, #tpu.memory_space<vmem_shared>> -> memref<128x128xf32, #tpu.memory_space<vmem_shared>>
      %dma_wait3A_61 = arith.constant 0 : i32
      %dma_wait3A_62 = tpu.memref_slice %arg10[%add3A_7, %dma_wait3A_61] : memref<10240x128xf32, #tpu.memory_space<vmem_shared>> -> memref<128x128xf32, #tpu.memory_space<vmem_shared>>
      tpu.wait_dma2 semaphore(%run_scoped3A : memref<!tpu.dma_semaphore, #tpu.memory_space<semaphore_mem>>) src(%arg8 : memref<128x128xf32, #tpu.memory_space<vmem>>) dst(%dma_wait3A_62 : memref<128x128xf32, #tpu.memory_space<vmem_shared>>)
      tpu.yield
    }) : () -> ()
    %mul3A_8 = arith.constant 640 : i32
    %mul3A_9 = arith.muli %arg1, %mul3A_8 : i32
    %add3A_10 = arith.constant 128 : i32
    %add3A_11 = arith.addi %mul3A_9, %add3A_10 : i32
    "tpu.region"() ({
      %run_scoped3A = tpu.sem_alloc : memref<!tpu.dma_semaphore, #tpu.memory_space<semaphore_mem>>
      %dma_start3A_56 = arith.constant 0 : i32
      %dma_start3A_57 = tpu.memref_slice %arg10[%add3A_11, %dma_start3A_56] : memref<10240x128xf32, #tpu.memory_space<vmem_shared>> -> memref<128x128xf32, #tpu.memory_space<vmem_shared>>
      %dma_start3A_58 = arith.constant 0 : i32
      %dma_start3A_59 = tpu.memref_slice %arg10[%add3A_11, %dma_start3A_58] : memref<10240x128xf32, #tpu.memory_space<vmem_shared>> -> memref<128x128xf32, #tpu.memory_space<vmem_shared>>
      tpu.enqueue_dma source(%arg8 : memref<128x128xf32, #tpu.memory_space<vmem>>) target(%dma_start3A_59 : memref<128x128xf32, #tpu.memory_space<vmem_shared>>) target_semaphore(%run_scoped3A : memref<!tpu.dma_semaphore, #tpu.memory_space<semaphore_mem>>)
      %dma_wait3A = arith.constant 0 : i32
      %dma_wait3A_60 = tpu.memref_slice %arg10[%add3A_11, %dma_wait3A] : memref<10240x128xf32, #tpu.memory_space<vmem_shared>> -> memref<128x128xf32, #tpu.memory_space<vmem_shared>>
      %dma_wait3A_61 = arith.constant 0 : i32
      %dma_wait3A_62 = tpu.memref_slice %arg10[%add3A_11, %dma_wait3A_61] : memref<10240x128xf32, #tpu.memory_space<vmem_shared>> -> memref<128x128xf32, #tpu.memory_space<vmem_shared>>
      tpu.wait_dma2 semaphore(%run_scoped3A : memref<!tpu.dma_semaphore, #tpu.memory_space<semaphore_mem>>) src(%arg8 : memref<128x128xf32, #tpu.memory_space<vmem>>) dst(%dma_wait3A_62 : memref<128x128xf32, #tpu.memory_space<vmem_shared>>)
      tpu.yield
    }) : () -> ()
    %mul3A_12 = arith.constant 640 : i32
    %mul3A_13 = arith.muli %arg1, %mul3A_12 : i32
    %add3A_14 = arith.constant 256 : i32
    %add3A_15 = arith.addi %mul3A_13, %add3A_14 : i32
    "tpu.region"() ({
      %run_scoped3A = tpu.sem_alloc : memref<!tpu.dma_semaphore, #tpu.memory_space<semaphore_mem>>
      %dma_start3A_56 = arith.constant 0 : i32
      %dma_start3A_57 = tpu.memref_slice %arg10[%add3A_15, %dma_start3A_56] : memref<10240x128xf32, #tpu.memory_space<vmem_shared>> -> memref<128x128xf32, #tpu.memory_space<vmem_shared>>
      %dma_start3A_58 = arith.constant 0 : i32
      %dma_start3A_59 = tpu.memref_slice %arg10[%add3A_15, %dma_start3A_58] : memref<10240x128xf32, #tpu.memory_space<vmem_shared>> -> memref<128x128xf32, #tpu.memory_space<vmem_shared>>
      tpu.enqueue_dma source(%arg8 : memref<128x128xf32, #tpu.memory_space<vmem>>) target(%dma_start3A_59 : memref<128x128xf32, #tpu.memory_space<vmem_shared>>) target_semaphore(%run_scoped3A : memref<!tpu.dma_semaphore, #tpu.memory_space<semaphore_mem>>)
      %dma_wait3A = arith.constant 0 : i32
      %dma_wait3A_60 = tpu.memref_slice %arg10[%add3A_15, %dma_wait3A] : memref<10240x128xf32, #tpu.memory_space<vmem_shared>> -> memref<128x128xf32, #tpu.memory_space<vmem_shared>>
      %dma_wait3A_61 = arith.constant 0 : i32
      %dma_wait3A_62 = tpu.memref_slice %arg10[%add3A_15, %dma_wait3A_61] : memref<10240x128xf32, #tpu.memory_space<vmem_shared>> -> memref<128x128xf32, #tpu.memory_space<vmem_shared>>
      tpu.wait_dma2 semaphore(%run_scoped3A : memref<!tpu.dma_semaphore, #tpu.memory_space<semaphore_mem>>) src(%arg8 : memref<128x128xf32, #tpu.memory_space<vmem>>) dst(%dma_wait3A_62 : memref<128x128xf32, #tpu.memory_space<vmem_shared>>)
      tpu.yield
    }) : () -> ()
    %mul3A_16 = arith.constant 640 : i32
    %mul3A_17 = arith.muli %arg1, %mul3A_16 : i32
    %add3A_18 = arith.constant 384 : i32
    %add3A_19 = arith.addi %mul3A_17, %add3A_18 : i32
    "tpu.region"() ({
      %run_scoped3A = tpu.sem_alloc : memref<!tpu.dma_semaphore, #tpu.memory_space<semaphore_mem>>
      %dma_start3A_56 = arith.constant 0 : i32
      %dma_start3A_57 = tpu.memref_slice %arg10[%add3A_19, %dma_start3A_56] : memref<10240x128xf32, #tpu.memory_space<vmem_shared>> -> memref<128x128xf32, #tpu.memory_space<vmem_shared>>
      %dma_start3A_58 = arith.constant 0 : i32
      %dma_start3A_59 = tpu.memref_slice %arg10[%add3A_19, %dma_start3A_58] : memref<10240x128xf32, #tpu.memory_space<vmem_shared>> -> memref<128x128xf32, #tpu.memory_space<vmem_shared>>
      tpu.enqueue_dma source(%arg8 : memref<128x128xf32, #tpu.memory_space<vmem>>) target(%dma_start3A_59 : memref<128x128xf32, #tpu.memory_space<vmem_shared>>) target_semaphore(%run_scoped3A : memref<!tpu.dma_semaphore, #tpu.memory_space<semaphore_mem>>)
      %dma_wait3A = arith.constant 0 : i32
      %dma_wait3A_60 = tpu.memref_slice %arg10[%add3A_19, %dma_wait3A] : memref<10240x128xf32, #tpu.memory_space<vmem_shared>> -> memref<128x128xf32, #tpu.memory_space<vmem_shared>>
      %dma_wait3A_61 = arith.constant 0 : i32
      %dma_wait3A_62 = tpu.memref_slice %arg10[%add3A_19, %dma_wait3A_61] : memref<10240x128xf32, #tpu.memory_space<vmem_shared>> -> memref<128x128xf32, #tpu.memory_space<vmem_shared>>
      tpu.wait_dma2 semaphore(%run_scoped3A : memref<!tpu.dma_semaphore, #tpu.memory_space<semaphore_mem>>) src(%arg8 : memref<128x128xf32, #tpu.memory_space<vmem>>) dst(%dma_wait3A_62 : memref<128x128xf32, #tpu.memory_space<vmem_shared>>)
      tpu.yield
    }) : () -> ()
    %mul3A_20 = arith.constant 640 : i32
    %mul3A_21 = arith.muli %arg1, %mul3A_20 : i32
    %add3A_22 = arith.constant 512 : i32
    %add3A_23 = arith.addi %mul3A_21, %add3A_22 : i32
    "tpu.region"() ({
      %run_scoped3A = tpu.sem_alloc : memref<!tpu.dma_semaphore, #tpu.memory_space<semaphore_mem>>
      %dma_start3A_56 = arith.constant 0 : i32
      %dma_start3A_57 = tpu.memref_slice %arg10[%add3A_23, %dma_start3A_56] : memref<10240x128xf32, #tpu.memory_space<vmem_shared>> -> memref<128x128xf32, #tpu.memory_space<vmem_shared>>
      %dma_start3A_58 = arith.constant 0 : i32
      %dma_start3A_59 = tpu.memref_slice %arg10[%add3A_23, %dma_start3A_58] : memref<10240x128xf32, #tpu.memory_space<vmem_shared>> -> memref<128x128xf32, #tpu.memory_space<vmem_shared>>
      tpu.enqueue_dma source(%arg8 : memref<128x128xf32, #tpu.memory_space<vmem>>) target(%dma_start3A_59 : memref<128x128xf32, #tpu.memory_space<vmem_shared>>) target_semaphore(%run_scoped3A : memref<!tpu.dma_semaphore, #tpu.memory_space<semaphore_mem>>)
      %dma_wait3A = arith.constant 0 : i32
      %dma_wait3A_60 = tpu.memref_slice %arg10[%add3A_23, %dma_wait3A] : memref<10240x128xf32, #tpu.memory_space<vmem_shared>> -> memref<128x128xf32, #tpu.memory_space<vmem_shared>>
      %dma_wait3A_61 = arith.constant 0 : i32
      %dma_wait3A_62 = tpu.memref_slice %arg10[%add3A_23, %dma_wait3A_61] : memref<10240x128xf32, #tpu.memory_space<vmem_shared>> -> memref<128x128xf32, #tpu.memory_space<vmem_shared>>
      tpu.wait_dma2 semaphore(%run_scoped3A : memref<!tpu.dma_semaphore, #tpu.memory_space<semaphore_mem>>) src(%arg8 : memref<128x128xf32, #tpu.memory_space<vmem>>) dst(%dma_wait3A_62 : memref<128x128xf32, #tpu.memory_space<vmem_shared>>)
      tpu.yield
    }) : () -> ()
    %barrier3A = arith.constant 0 : index
    tpu.barrier barrier_id(%barrier3A)
    "tpu.region"() ({
      %run_scoped3A = tpu.sem_alloc : memref<!tpu.dma_semaphore, #tpu.memory_space<semaphore_mem>>
      %dma_start3A_56 = arith.constant 0 : i32
      %dma_start3A_57 = arith.constant 0 : i32
      %dma_start3A_58 = tpu.memref_slice %arg3[%arg0, %arg1, %dma_start3A_56, %dma_start3A_57] : memref<2x16x80x128xi32, #tpu.memory_space<hbm>> -> memref<1x1x80x128xi32, #tpu.memory_space<hbm>>
      %dma_start3A_59 = tpu.memref_squeeze %dma_start3A_58 : memref<1x1x80x128xi32, #tpu.memory_space<hbm>> -> memref<80x128xi32, #tpu.memory_space<hbm>>
      %dma_start3A_60 = arith.constant 0 : i32
      %dma_start3A_61 = arith.constant 0 : i32
      %dma_start3A_62 = tpu.memref_slice %dma_start3A_59[%dma_start3A_60, %dma_start3A_61] : memref<80x128xi32, #tpu.memory_space<hbm>> -> memref<40x128xi32, #tpu.memory_space<hbm>>
      %dma_start3A_63 = arith.constant 0 : i32
      %dma_start3A_64 = arith.constant 0 : i32
      %dma_start3A_65 = tpu.memref_slice %arg3[%arg0, %arg1, %dma_start3A_63, %dma_start3A_64] : memref<2x16x80x128xi32, #tpu.memory_space<hbm>> -> memref<1x1x80x128xi32, #tpu.memory_space<hbm>>
      %dma_start3A_66 = tpu.memref_squeeze %dma_start3A_65 : memref<1x1x80x128xi32, #tpu.memory_space<hbm>> -> memref<80x128xi32, #tpu.memory_space<hbm>>
      %dma_start3A_67 = arith.constant 0 : i32
      %dma_start3A_68 = arith.constant 0 : i32
      %dma_start3A_69 = tpu.memref_slice %dma_start3A_66[%dma_start3A_67, %dma_start3A_68] : memref<80x128xi32, #tpu.memory_space<hbm>> -> memref<40x128xi32, #tpu.memory_space<hbm>>
      tpu.enqueue_dma source(%dma_start3A_69 : memref<40x128xi32, #tpu.memory_space<hbm>>) target(%arg6 : memref<40x128xi32, #tpu.memory_space<vmem>>) target_semaphore(%run_scoped3A : memref<!tpu.dma_semaphore, #tpu.memory_space<semaphore_mem>>)
      %dma_wait3A = arith.constant 0 : i32
      %dma_wait3A_70 = arith.constant 0 : i32
      %dma_wait3A_71 = tpu.memref_slice %arg3[%arg0, %arg1, %dma_wait3A, %dma_wait3A_70] : memref<2x16x80x128xi32, #tpu.memory_space<hbm>> -> memref<1x1x80x128xi32, #tpu.memory_space<hbm>>
      %dma_wait3A_72 = tpu.memref_squeeze %dma_wait3A_71 : memref<1x1x80x128xi32, #tpu.memory_space<hbm>> -> memref<80x128xi32, #tpu.memory_space<hbm>>
      %dma_wait3A_73 = arith.constant 0 : i32
      %dma_wait3A_74 = arith.constant 0 : i32
      %dma_wait3A_75 = tpu.memref_slice %dma_wait3A_72[%dma_wait3A_73, %dma_wait3A_74] : memref<80x128xi32, #tpu.memory_space<hbm>> -> memref<40x128xi32, #tpu.memory_space<hbm>>
      %dma_wait3A_76 = arith.constant 0 : i32
      %dma_wait3A_77 = arith.constant 0 : i32
      %dma_wait3A_78 = tpu.memref_slice %arg3[%arg0, %arg1, %dma_wait3A_76, %dma_wait3A_77] : memref<2x16x80x128xi32, #tpu.memory_space<hbm>> -> memref<1x1x80x128xi32, #tpu.memory_space<hbm>>
      %dma_wait3A_79 = tpu.memref_squeeze %dma_wait3A_78 : memref<1x1x80x128xi32, #tpu.memory_space<hbm>> -> memref<80x128xi32, #tpu.memory_space<hbm>>
      %dma_wait3A_80 = arith.constant 0 : i32
      %dma_wait3A_81 = arith.constant 0 : i32
      %dma_wait3A_82 = tpu.memref_slice %dma_wait3A_79[%dma_wait3A_80, %dma_wait3A_81] : memref<80x128xi32, #tpu.memory_space<hbm>> -> memref<40x128xi32, #tpu.memory_space<hbm>>
      tpu.wait_dma2 semaphore(%run_scoped3A : memref<!tpu.dma_semaphore, #tpu.memory_space<semaphore_mem>>) src(%dma_wait3A_82 : memref<40x128xi32, #tpu.memory_space<hbm>>) dst(%arg6 : memref<40x128xi32, #tpu.memory_space<vmem>>)
      tpu.yield
    }) : () -> ()
    "tpu.region"() ({
      %run_scoped3A = tpu.sem_alloc : memref<!tpu.dma_semaphore, #tpu.memory_space<semaphore_mem>>
      %dma_start3A_56 = arith.constant 0 : i32
      %dma_start3A_57 = arith.constant 0 : i32
      %dma_start3A_58 = tpu.memref_slice %arg4[%arg1, %dma_start3A_56, %dma_start3A_57] : memref<16x80x128xi32, #tpu.memory_space<hbm>> -> memref<1x80x128xi32, #tpu.memory_space<hbm>>
      %dma_start3A_59 = tpu.memref_squeeze %dma_start3A_58 : memref<1x80x128xi32, #tpu.memory_space<hbm>> -> memref<80x128xi32, #tpu.memory_space<hbm>>
      %dma_start3A_60 = arith.constant 0 : i32
      %dma_start3A_61 = arith.constant 0 : i32
      %dma_start3A_62 = tpu.memref_slice %dma_start3A_59[%dma_start3A_60, %dma_start3A_61] : memref<80x128xi32, #tpu.memory_space<hbm>> -> memref<40x128xi32, #tpu.memory_space<hbm>>
      %dma_start3A_63 = arith.constant 0 : i32
      %dma_start3A_64 = arith.constant 0 : i32
      %dma_start3A_65 = tpu.memref_slice %arg4[%arg1, %dma_start3A_63, %dma_start3A_64] : memref<16x80x128xi32, #tpu.memory_space<hbm>> -> memref<1x80x128xi32, #tpu.memory_space<hbm>>
      %dma_start3A_66 = tpu.memref_squeeze %dma_start3A_65 : memref<1x80x128xi32, #tpu.memory_space<hbm>> -> memref<80x128xi32, #tpu.memory_space<hbm>>
      %dma_start3A_67 = arith.constant 0 : i32
      %dma_start3A_68 = arith.constant 0 : i32
      %dma_start3A_69 = tpu.memref_slice %dma_start3A_66[%dma_start3A_67, %dma_start3A_68] : memref<80x128xi32, #tpu.memory_space<hbm>> -> memref<40x128xi32, #tpu.memory_space<hbm>>
      tpu.enqueue_dma source(%dma_start3A_69 : memref<40x128xi32, #tpu.memory_space<hbm>>) target(%arg7 : memref<40x128xi32, #tpu.memory_space<vmem>>) target_semaphore(%run_scoped3A : memref<!tpu.dma_semaphore, #tpu.memory_space<semaphore_mem>>)
      %dma_wait3A = arith.constant 0 : i32
      %dma_wait3A_70 = arith.constant 0 : i32
      %dma_wait3A_71 = tpu.memref_slice %arg4[%arg1, %dma_wait3A, %dma_wait3A_70] : memref<16x80x128xi32, #tpu.memory_space<hbm>> -> memref<1x80x128xi32, #tpu.memory_space<hbm>>
      %dma_wait3A_72 = tpu.memref_squeeze %dma_wait3A_71 : memref<1x80x128xi32, #tpu.memory_space<hbm>> -> memref<80x128xi32, #tpu.memory_space<hbm>>
      %dma_wait3A_73 = arith.constant 0 : i32
      %dma_wait3A_74 = arith.constant 0 : i32
      %dma_wait3A_75 = tpu.memref_slice %dma_wait3A_72[%dma_wait3A_73, %dma_wait3A_74] : memref<80x128xi32, #tpu.memory_space<hbm>> -> memref<40x128xi32, #tpu.memory_space<hbm>>
      %dma_wait3A_76 = arith.constant 0 : i32
      %dma_wait3A_77 = arith.constant 0 : i32
      %dma_wait3A_78 = tpu.memref_slice %arg4[%arg1, %dma_wait3A_76, %dma_wait3A_77] : memref<16x80x128xi32, #tpu.memory_space<hbm>> -> memref<1x80x128xi32, #tpu.memory_space<hbm>>
      %dma_wait3A_79 = tpu.memref_squeeze %dma_wait3A_78 : memref<1x80x128xi32, #tpu.memory_space<hbm>> -> memref<80x128xi32, #tpu.memory_space<hbm>>
      %dma_wait3A_80 = arith.constant 0 : i32
      %dma_wait3A_81 = arith.constant 0 : i32
      %dma_wait3A_82 = tpu.memref_slice %dma_wait3A_79[%dma_wait3A_80, %dma_wait3A_81] : memref<80x128xi32, #tpu.memory_space<hbm>> -> memref<40x128xi32, #tpu.memory_space<hbm>>
      tpu.wait_dma2 semaphore(%run_scoped3A : memref<!tpu.dma_semaphore, #tpu.memory_space<semaphore_mem>>) src(%dma_wait3A_82 : memref<40x128xi32, #tpu.memory_space<hbm>>) dst(%arg7 : memref<40x128xi32, #tpu.memory_space<vmem>>)
      tpu.yield
    }) : () -> ()
    %dma_start3A = arith.constant 0 : i32
    %dma_start3A_24 = arith.constant 0 : i32
    %dma_start3A_25 = tpu.memref_slice %arg6[%dma_start3A, %dma_start3A_24] : memref<40x128xi32, #tpu.memory_space<vmem>> -> memref<1x128xi32, #tpu.memory_space<vmem>>
    %dma_start3A_26 = tpu.memref_squeeze %dma_start3A_25 : memref<1x128xi32, #tpu.memory_space<vmem>> -> memref<128xi32, #tpu.memory_space<vmem>>
    %dma_start3A_27 = arith.constant 0 : i32
    %dma_start3A_28 = arith.constant 0 : i32
    %dma_start3A_29 = tpu.memref_slice %arg2[%dma_start3A_27, %dma_start3A_28] : memref<20480x128xf32, #tpu.memory_space<hbm>> -> memref<20480x128xf32, #tpu.memory_space<hbm>>
    tpu.enqueue_indirect_dma source(%dma_start3A_29 : memref<20480x128xf32, #tpu.memory_space<hbm>>) target(%arg8 : memref<128x128xf32, #tpu.memory_space<vmem>>) offsets(%dma_start3A_26 : memref<128xi32, #tpu.memory_space<vmem>>) semaphore(%arg11 : memref<!tpu.dma_semaphore, #tpu.memory_space<semaphore_mem>>)
    %scan3A_30 = arith.constant 0 : i32
    %scan3A_31 = arith.constant 0 : i32
    %scan3A_32 = arith.constant 20 : i32
    %scan3A_33 = arith.addi %scan3A_31, %scan3A_32 : i32
    %scan3A_34 = arith.constant 1 : i32
    %scan3A_35 = scf.for %scan3A_56 = %scan3A_31 to %scan3A_33 step %scan3A_34 iter_args(%scan3A_57 = %scan3A_30) -> (i32)  : i32 {
      %mul3A_58 = arith.constant 2 : i32
      %mul3A_59 = arith.muli %mul3A_58, %scan3A_56 : i32
      %add3A_60 = arith.constant 1 : i32
      %add3A_61 = arith.addi %mul3A_59, %add3A_60 : i32
      %dma_wait3A = arith.constant 0 : i32
      %dma_wait3A_62 = tpu.memref_slice %arg6[%mul3A_59, %dma_wait3A] : memref<40x128xi32, #tpu.memory_space<vmem>> -> memref<1x128xi32, #tpu.memory_space<vmem>>
      %dma_wait3A_63 = tpu.memref_squeeze %dma_wait3A_62 : memref<1x128xi32, #tpu.memory_space<vmem>> -> memref<128xi32, #tpu.memory_space<vmem>>
      %dma_wait3A_64 = arith.constant 0 : i32
      %dma_wait3A_65 = arith.constant 0 : i32
      %dma_wait3A_66 = tpu.memref_slice %arg2[%dma_wait3A_64, %dma_wait3A_65] : memref<20480x128xf32, #tpu.memory_space<hbm>> -> memref<20480x128xf32, #tpu.memory_space<hbm>>
      tpu.wait_indirect_dma semaphore(%arg11 : memref<!tpu.dma_semaphore, #tpu.memory_space<semaphore_mem>>) src(%dma_wait3A_66 : memref<20480x128xf32, #tpu.memory_space<hbm>>) dst(%arg8 : memref<128x128xf32, #tpu.memory_space<vmem>>)
      %dma_start3A_67 = arith.constant 0 : i32
      %dma_start3A_68 = tpu.memref_slice %arg6[%add3A_61, %dma_start3A_67] : memref<40x128xi32, #tpu.memory_space<vmem>> -> memref<1x128xi32, #tpu.memory_space<vmem>>
      %dma_start3A_69 = tpu.memref_squeeze %dma_start3A_68 : memref<1x128xi32, #tpu.memory_space<vmem>> -> memref<128xi32, #tpu.memory_space<vmem>>
      %dma_start3A_70 = arith.constant 0 : i32
      %dma_start3A_71 = arith.constant 0 : i32
      %dma_start3A_72 = tpu.memref_slice %arg2[%dma_start3A_70, %dma_start3A_71] : memref<20480x128xf32, #tpu.memory_space<hbm>> -> memref<20480x128xf32, #tpu.memory_space<hbm>>
      tpu.enqueue_indirect_dma source(%dma_start3A_72 : memref<20480x128xf32, #tpu.memory_space<hbm>>) target(%arg9 : memref<128x128xf32, #tpu.memory_space<vmem>>) offsets(%dma_start3A_69 : memref<128xi32, #tpu.memory_space<vmem>>) semaphore(%arg12 : memref<!tpu.dma_semaphore, #tpu.memory_space<semaphore_mem>>)
      "tpu.region"() ({
        %run_scoped3A = tpu.sem_alloc : memref<!tpu.dma_semaphore, #tpu.memory_space<semaphore_mem>>
        %dma_start3A_82 = arith.constant 0 : i32
        %dma_start3A_83 = tpu.memref_slice %arg7[%mul3A_59, %dma_start3A_82] : memref<40x128xi32, #tpu.memory_space<vmem>> -> memref<1x128xi32, #tpu.memory_space<vmem>>
        %dma_start3A_84 = tpu.memref_squeeze %dma_start3A_83 : memref<1x128xi32, #tpu.memory_space<vmem>> -> memref<128xi32, #tpu.memory_space<vmem>>
        %dma_start3A_85 = arith.constant 0 : i32
        %dma_start3A_86 = arith.constant 0 : i32
        %dma_start3A_87 = tpu.memref_slice %arg10[%dma_start3A_85, %dma_start3A_86] : memref<10240x128xf32, #tpu.memory_space<vmem_shared>> -> memref<10240x128xf32, #tpu.memory_space<vmem_shared>>
        tpu.enqueue_indirect_dma source(%arg8 : memref<128x128xf32, #tpu.memory_space<vmem>>) target(%dma_start3A_87 : memref<10240x128xf32, #tpu.memory_space<vmem_shared>>) offsets(%dma_start3A_84 : memref<128xi32, #tpu.memory_space<vmem>>) semaphore(%run_scoped3A : memref<!tpu.dma_semaphore, #tpu.memory_space<semaphore_mem>>) {add = true}
        %dma_wait3A_88 = arith.constant 0 : i32
        %dma_wait3A_89 = tpu.memref_slice %arg7[%mul3A_59, %dma_wait3A_88] : memref<40x128xi32, #tpu.memory_space<vmem>> -> memref<1x128xi32, #tpu.memory_space<vmem>>
        %dma_wait3A_90 = tpu.memref_squeeze %dma_wait3A_89 : memref<1x128xi32, #tpu.memory_space<vmem>> -> memref<128xi32, #tpu.memory_space<vmem>>
        %dma_wait3A_91 = arith.constant 0 : i32
        %dma_wait3A_92 = arith.constant 0 : i32
        %dma_wait3A_93 = tpu.memref_slice %arg10[%dma_wait3A_91, %dma_wait3A_92] : memref<10240x128xf32, #tpu.memory_space<vmem_shared>> -> memref<10240x128xf32, #tpu.memory_space<vmem_shared>>
        tpu.wait_indirect_dma semaphore(%run_scoped3A : memref<!tpu.dma_semaphore, #tpu.memory_space<semaphore_mem>>) src(%arg8 : memref<128x128xf32, #tpu.memory_space<vmem>>) dst(%dma_wait3A_93 : memref<10240x128xf32, #tpu.memory_space<vmem_shared>>)
        tpu.yield
      }) : () -> ()
      %lt3A = arith.constant 19 : i32
      %lt3A_73 = arith.cmpi slt, %scan3A_56, %lt3A : i32
      %convert_element_type3A = arith.extui %lt3A_73 : i1 to i32
      %cond3A = arith.constant 0 : i32
      %cond3A_74 = arith.cmpi ne, %convert_element_type3A, %cond3A : i32
      scf.if %cond3A_74 {
        %add3A_82 = arith.constant 2 : i32
        %add3A_83 = arith.addi %mul3A_59, %add3A_82 : i32
        %dma_start3A_84 = arith.constant 0 : i32
        %dma_start3A_85 = tpu.memref_slice %arg6[%add3A_83, %dma_start3A_84] : memref<40x128xi32, #tpu.memory_space<vmem>> -> memref<1x128xi32, #tpu.memory_space<vmem>>
        %dma_start3A_86 = tpu.memref_squeeze %dma_start3A_85 : memref<1x128xi32, #tpu.memory_space<vmem>> -> memref<128xi32, #tpu.memory_space<vmem>>
        %dma_start3A_87 = arith.constant 0 : i32
        %dma_start3A_88 = arith.constant 0 : i32
        %dma_start3A_89 = tpu.memref_slice %arg2[%dma_start3A_87, %dma_start3A_88] : memref<20480x128xf32, #tpu.memory_space<hbm>> -> memref<20480x128xf32, #tpu.memory_space<hbm>>
        tpu.enqueue_indirect_dma source(%dma_start3A_89 : memref<20480x128xf32, #tpu.memory_space<hbm>>) target(%arg8 : memref<128x128xf32, #tpu.memory_space<vmem>>) offsets(%dma_start3A_86 : memref<128xi32, #tpu.memory_space<vmem>>) semaphore(%arg11 : memref<!tpu.dma_semaphore, #tpu.memory_space<semaphore_mem>>)
      } else {
      }
      %dma_wait3A_75 = arith.constant 0 : i32
      %dma_wait3A_76 = tpu.memref_slice %arg6[%add3A_61, %dma_wait3A_75] : memref<40x128xi32, #tpu.memory_space<vmem>> -> memref<1x128xi32, #tpu.memory_space<vmem>>
      %dma_wait3A_77 = tpu.memref_squeeze %dma_wait3A_76 : memref<1x128xi32, #tpu.memory_space<vmem>> -> memref<128xi32, #tpu.memory_space<vmem>>
      %dma_wait3A_78 = arith.constant 0 : i32
      %dma_wait3A_79 = arith.constant 0 : i32
      %dma_wait3A_80 = tpu.memref_slice %arg2[%dma_wait3A_78, %dma_wait3A_79] : memref<20480x128xf32, #tpu.memory_space<hbm>> -> memref<20480x128xf32, #tpu.memory_space<hbm>>
      tpu.wait_indirect_dma semaphore(%arg12 : memref<!tpu.dma_semaphore, #tpu.memory_space<semaphore_mem>>) src(%dma_wait3A_80 : memref<20480x128xf32, #tpu.memory_space<hbm>>) dst(%arg9 : memref<128x128xf32, #tpu.memory_space<vmem>>)
      "tpu.region"() ({
        %run_scoped3A = tpu.sem_alloc : memref<!tpu.dma_semaphore, #tpu.memory_space<semaphore_mem>>
        %dma_start3A_82 = arith.constant 0 : i32
        %dma_start3A_83 = tpu.memref_slice %arg7[%add3A_61, %dma_start3A_82] : memref<40x128xi32, #tpu.memory_space<vmem>> -> memref<1x128xi32, #tpu.memory_space<vmem>>
        %dma_start3A_84 = tpu.memref_squeeze %dma_start3A_83 : memref<1x128xi32, #tpu.memory_space<vmem>> -> memref<128xi32, #tpu.memory_space<vmem>>
        %dma_start3A_85 = arith.constant 0 : i32
        %dma_start3A_86 = arith.constant 0 : i32
        %dma_start3A_87 = tpu.memref_slice %arg10[%dma_start3A_85, %dma_start3A_86] : memref<10240x128xf32, #tpu.memory_space<vmem_shared>> -> memref<10240x128xf32, #tpu.memory_space<vmem_shared>>
        tpu.enqueue_indirect_dma source(%arg9 : memref<128x128xf32, #tpu.memory_space<vmem>>) target(%dma_start3A_87 : memref<10240x128xf32, #tpu.memory_space<vmem_shared>>) offsets(%dma_start3A_84 : memref<128xi32, #tpu.memory_space<vmem>>) semaphore(%run_scoped3A : memref<!tpu.dma_semaphore, #tpu.memory_space<semaphore_mem>>) {add = true}
        %dma_wait3A_88 = arith.constant 0 : i32
        %dma_wait3A_89 = tpu.memref_slice %arg7[%add3A_61, %dma_wait3A_88] : memref<40x128xi32, #tpu.memory_space<vmem>> -> memref<1x128xi32, #tpu.memory_space<vmem>>
        %dma_wait3A_90 = tpu.memref_squeeze %dma_wait3A_89 : memref<1x128xi32, #tpu.memory_space<vmem>> -> memref<128xi32, #tpu.memory_space<vmem>>
        %dma_wait3A_91 = arith.constant 0 : i32
        %dma_wait3A_92 = arith.constant 0 : i32
        %dma_wait3A_93 = tpu.memref_slice %arg10[%dma_wait3A_91, %dma_wait3A_92] : memref<10240x128xf32, #tpu.memory_space<vmem_shared>> -> memref<10240x128xf32, #tpu.memory_space<vmem_shared>>
        tpu.wait_indirect_dma semaphore(%run_scoped3A : memref<!tpu.dma_semaphore, #tpu.memory_space<semaphore_mem>>) src(%arg9 : memref<128x128xf32, #tpu.memory_space<vmem>>) dst(%dma_wait3A_93 : memref<10240x128xf32, #tpu.memory_space<vmem_shared>>)
        tpu.yield
      }) : () -> ()
      %scan3A_81 = arith.constant 0 : i32
      scf.yield %scan3A_81 : i32
    }
    %scan3A_36 = arith.constant 20 : i32
    "tpu.region"() ({
      %run_scoped3A = tpu.sem_alloc : memref<!tpu.dma_semaphore, #tpu.memory_space<semaphore_mem>>
      %dma_start3A_56 = arith.constant 0 : i32
      %dma_start3A_57 = arith.constant 0 : i32
      %dma_start3A_58 = tpu.memref_slice %arg3[%arg0, %arg1, %dma_start3A_56, %dma_start3A_57] : memref<2x16x80x128xi32, #tpu.memory_space<hbm>> -> memref<1x1x80x128xi32, #tpu.memory_space<hbm>>
      %dma_start3A_59 = tpu.memref_squeeze %dma_start3A_58 : memref<1x1x80x128xi32, #tpu.memory_space<hbm>> -> memref<80x128xi32, #tpu.memory_space<hbm>>
      %dma_start3A_60 = arith.constant 40 : i32
      %dma_start3A_61 = arith.constant 0 : i32
      %dma_start3A_62 = tpu.memref_slice %dma_start3A_59[%dma_start3A_60, %dma_start3A_61] : memref<80x128xi32, #tpu.memory_space<hbm>> -> memref<40x128xi32, #tpu.memory_space<hbm>>
      %dma_start3A_63 = arith.constant 0 : i32
      %dma_start3A_64 = arith.constant 0 : i32
      %dma_start3A_65 = tpu.memref_slice %arg3[%arg0, %arg1, %dma_start3A_63, %dma_start3A_64] : memref<2x16x80x128xi32, #tpu.memory_space<hbm>> -> memref<1x1x80x128xi32, #tpu.memory_space<hbm>>
      %dma_start3A_66 = tpu.memref_squeeze %dma_start3A_65 : memref<1x1x80x128xi32, #tpu.memory_space<hbm>> -> memref<80x128xi32, #tpu.memory_space<hbm>>
      %dma_start3A_67 = arith.constant 40 : i32
      %dma_start3A_68 = arith.constant 0 : i32
      %dma_start3A_69 = tpu.memref_slice %dma_start3A_66[%dma_start3A_67, %dma_start3A_68] : memref<80x128xi32, #tpu.memory_space<hbm>> -> memref<40x128xi32, #tpu.memory_space<hbm>>
      tpu.enqueue_dma source(%dma_start3A_69 : memref<40x128xi32, #tpu.memory_space<hbm>>) target(%arg6 : memref<40x128xi32, #tpu.memory_space<vmem>>) target_semaphore(%run_scoped3A : memref<!tpu.dma_semaphore, #tpu.memory_space<semaphore_mem>>)
      %dma_wait3A = arith.constant 0 : i32
      %dma_wait3A_70 = arith.constant 0 : i32
      %dma_wait3A_71 = tpu.memref_slice %arg3[%arg0, %arg1, %dma_wait3A, %dma_wait3A_70] : memref<2x16x80x128xi32, #tpu.memory_space<hbm>> -> memref<1x1x80x128xi32, #tpu.memory_space<hbm>>
      %dma_wait3A_72 = tpu.memref_squeeze %dma_wait3A_71 : memref<1x1x80x128xi32, #tpu.memory_space<hbm>> -> memref<80x128xi32, #tpu.memory_space<hbm>>
      %dma_wait3A_73 = arith.constant 40 : i32
      %dma_wait3A_74 = arith.constant 0 : i32
      %dma_wait3A_75 = tpu.memref_slice %dma_wait3A_72[%dma_wait3A_73, %dma_wait3A_74] : memref<80x128xi32, #tpu.memory_space<hbm>> -> memref<40x128xi32, #tpu.memory_space<hbm>>
      %dma_wait3A_76 = arith.constant 0 : i32
      %dma_wait3A_77 = arith.constant 0 : i32
      %dma_wait3A_78 = tpu.memref_slice %arg3[%arg0, %arg1, %dma_wait3A_76, %dma_wait3A_77] : memref<2x16x80x128xi32, #tpu.memory_space<hbm>> -> memref<1x1x80x128xi32, #tpu.memory_space<hbm>>
      %dma_wait3A_79 = tpu.memref_squeeze %dma_wait3A_78 : memref<1x1x80x128xi32, #tpu.memory_space<hbm>> -> memref<80x128xi32, #tpu.memory_space<hbm>>
      %dma_wait3A_80 = arith.constant 40 : i32
      %dma_wait3A_81 = arith.constant 0 : i32
      %dma_wait3A_82 = tpu.memref_slice %dma_wait3A_79[%dma_wait3A_80, %dma_wait3A_81] : memref<80x128xi32, #tpu.memory_space<hbm>> -> memref<40x128xi32, #tpu.memory_space<hbm>>
      tpu.wait_dma2 semaphore(%run_scoped3A : memref<!tpu.dma_semaphore, #tpu.memory_space<semaphore_mem>>) src(%dma_wait3A_82 : memref<40x128xi32, #tpu.memory_space<hbm>>) dst(%arg6 : memref<40x128xi32, #tpu.memory_space<vmem>>)
      tpu.yield
    }) : () -> ()
    "tpu.region"() ({
      %run_scoped3A = tpu.sem_alloc : memref<!tpu.dma_semaphore, #tpu.memory_space<semaphore_mem>>
      %dma_start3A_56 = arith.constant 0 : i32
      %dma_start3A_57 = arith.constant 0 : i32
      %dma_start3A_58 = tpu.memref_slice %arg4[%arg1, %dma_start3A_56, %dma_start3A_57] : memref<16x80x128xi32, #tpu.memory_space<hbm>> -> memref<1x80x128xi32, #tpu.memory_space<hbm>>
      %dma_start3A_59 = tpu.memref_squeeze %dma_start3A_58 : memref<1x80x128xi32, #tpu.memory_space<hbm>> -> memref<80x128xi32, #tpu.memory_space<hbm>>
      %dma_start3A_60 = arith.constant 40 : i32
      %dma_start3A_61 = arith.constant 0 : i32
      %dma_start3A_62 = tpu.memref_slice %dma_start3A_59[%dma_start3A_60, %dma_start3A_61] : memref<80x128xi32, #tpu.memory_space<hbm>> -> memref<40x128xi32, #tpu.memory_space<hbm>>
      %dma_start3A_63 = arith.constant 0 : i32
      %dma_start3A_64 = arith.constant 0 : i32
      %dma_start3A_65 = tpu.memref_slice %arg4[%arg1, %dma_start3A_63, %dma_start3A_64] : memref<16x80x128xi32, #tpu.memory_space<hbm>> -> memref<1x80x128xi32, #tpu.memory_space<hbm>>
      %dma_start3A_66 = tpu.memref_squeeze %dma_start3A_65 : memref<1x80x128xi32, #tpu.memory_space<hbm>> -> memref<80x128xi32, #tpu.memory_space<hbm>>
      %dma_start3A_67 = arith.constant 40 : i32
      %dma_start3A_68 = arith.constant 0 : i32
      %dma_start3A_69 = tpu.memref_slice %dma_start3A_66[%dma_start3A_67, %dma_start3A_68] : memref<80x128xi32, #tpu.memory_space<hbm>> -> memref<40x128xi32, #tpu.memory_space<hbm>>
      tpu.enqueue_dma source(%dma_start3A_69 : memref<40x128xi32, #tpu.memory_space<hbm>>) target(%arg7 : memref<40x128xi32, #tpu.memory_space<vmem>>) target_semaphore(%run_scoped3A : memref<!tpu.dma_semaphore, #tpu.memory_space<semaphore_mem>>)
      %dma_wait3A = arith.constant 0 : i32
      %dma_wait3A_70 = arith.constant 0 : i32
      %dma_wait3A_71 = tpu.memref_slice %arg4[%arg1, %dma_wait3A, %dma_wait3A_70] : memref<16x80x128xi32, #tpu.memory_space<hbm>> -> memref<1x80x128xi32, #tpu.memory_space<hbm>>
      %dma_wait3A_72 = tpu.memref_squeeze %dma_wait3A_71 : memref<1x80x128xi32, #tpu.memory_space<hbm>> -> memref<80x128xi32, #tpu.memory_space<hbm>>
      %dma_wait3A_73 = arith.constant 40 : i32
      %dma_wait3A_74 = arith.constant 0 : i32
      %dma_wait3A_75 = tpu.memref_slice %dma_wait3A_72[%dma_wait3A_73, %dma_wait3A_74] : memref<80x128xi32, #tpu.memory_space<hbm>> -> memref<40x128xi32, #tpu.memory_space<hbm>>
      %dma_wait3A_76 = arith.constant 0 : i32
      %dma_wait3A_77 = arith.constant 0 : i32
      %dma_wait3A_78 = tpu.memref_slice %arg4[%arg1, %dma_wait3A_76, %dma_wait3A_77] : memref<16x80x128xi32, #tpu.memory_space<hbm>> -> memref<1x80x128xi32, #tpu.memory_space<hbm>>
      %dma_wait3A_79 = tpu.memref_squeeze %dma_wait3A_78 : memref<1x80x128xi32, #tpu.memory_space<hbm>> -> memref<80x128xi32, #tpu.memory_space<hbm>>
      %dma_wait3A_80 = arith.constant 40 : i32
      %dma_wait3A_81 = arith.constant 0 : i32
      %dma_wait3A_82 = tpu.memref_slice %dma_wait3A_79[%dma_wait3A_80, %dma_wait3A_81] : memref<80x128xi32, #tpu.memory_space<hbm>> -> memref<40x128xi32, #tpu.memory_space<hbm>>
      tpu.wait_dma2 semaphore(%run_scoped3A : memref<!tpu.dma_semaphore, #tpu.memory_space<semaphore_mem>>) src(%dma_wait3A_82 : memref<40x128xi32, #tpu.memory_space<hbm>>) dst(%arg7 : memref<40x128xi32, #tpu.memory_space<vmem>>)
      tpu.yield
    }) : () -> ()
    %dma_start3A_37 = arith.constant 0 : i32
    %dma_start3A_38 = arith.constant 0 : i32
    %dma_start3A_39 = tpu.memref_slice %arg6[%dma_start3A_37, %dma_start3A_38] : memref<40x128xi32, #tpu.memory_space<vmem>> -> memref<1x128xi32, #tpu.memory_space<vmem>>
    %dma_start3A_40 = tpu.memref_squeeze %dma_start3A_39 : memref<1x128xi32, #tpu.memory_space<vmem>> -> memref<128xi32, #tpu.memory_space<vmem>>
    %dma_start3A_41 = arith.constant 0 : i32
    %dma_start3A_42 = arith.constant 0 : i32
    %dma_start3A_43 = tpu.memref_slice %arg2[%dma_start3A_41, %dma_start3A_42] : memref<20480x128xf32, #tpu.memory_space<hbm>> -> memref<20480x128xf32, #tpu.memory_space<hbm>>
    tpu.enqueue_indirect_dma source(%dma_start3A_43 : memref<20480x128xf32, #tpu.memory_space<hbm>>) target(%arg8 : memref<128x128xf32, #tpu.memory_space<vmem>>) offsets(%dma_start3A_40 : memref<128xi32, #tpu.memory_space<vmem>>) semaphore(%arg11 : memref<!tpu.dma_semaphore, #tpu.memory_space<semaphore_mem>>)
    %scan3A_44 = arith.constant 0 : i32
    %scan3A_45 = arith.constant 0 : i32
    %scan3A_46 = arith.constant 20 : i32
    %scan3A_47 = arith.addi %scan3A_45, %scan3A_46 : i32
    %scan3A_48 = arith.constant 1 : i32
    %scan3A_49 = scf.for %scan3A_56 = %scan3A_45 to %scan3A_47 step %scan3A_48 iter_args(%scan3A_57 = %scan3A_44) -> (i32)  : i32 {
      %mul3A_58 = arith.constant 2 : i32
      %mul3A_59 = arith.muli %mul3A_58, %scan3A_56 : i32
      %add3A_60 = arith.constant 1 : i32
      %add3A_61 = arith.addi %mul3A_59, %add3A_60 : i32
      %dma_wait3A = arith.constant 0 : i32
      %dma_wait3A_62 = tpu.memref_slice %arg6[%mul3A_59, %dma_wait3A] : memref<40x128xi32, #tpu.memory_space<vmem>> -> memref<1x128xi32, #tpu.memory_space<vmem>>
      %dma_wait3A_63 = tpu.memref_squeeze %dma_wait3A_62 : memref<1x128xi32, #tpu.memory_space<vmem>> -> memref<128xi32, #tpu.memory_space<vmem>>
      %dma_wait3A_64 = arith.constant 0 : i32
      %dma_wait3A_65 = arith.constant 0 : i32
      %dma_wait3A_66 = tpu.memref_slice %arg2[%dma_wait3A_64, %dma_wait3A_65] : memref<20480x128xf32, #tpu.memory_space<hbm>> -> memref<20480x128xf32, #tpu.memory_space<hbm>>
      tpu.wait_indirect_dma semaphore(%arg11 : memref<!tpu.dma_semaphore, #tpu.memory_space<semaphore_mem>>) src(%dma_wait3A_66 : memref<20480x128xf32, #tpu.memory_space<hbm>>) dst(%arg8 : memref<128x128xf32, #tpu.memory_space<vmem>>)
      %dma_start3A_67 = arith.constant 0 : i32
      %dma_start3A_68 = tpu.memref_slice %arg6[%add3A_61, %dma_start3A_67] : memref<40x128xi32, #tpu.memory_space<vmem>> -> memref<1x128xi32, #tpu.memory_space<vmem>>
      %dma_start3A_69 = tpu.memref_squeeze %dma_start3A_68 : memref<1x128xi32, #tpu.memory_space<vmem>> -> memref<128xi32, #tpu.memory_space<vmem>>
      %dma_start3A_70 = arith.constant 0 : i32
      %dma_start3A_71 = arith.constant 0 : i32
      %dma_start3A_72 = tpu.memref_slice %arg2[%dma_start3A_70, %dma_start3A_71] : memref<20480x128xf32, #tpu.memory_space<hbm>> -> memref<20480x128xf32, #tpu.memory_space<hbm>>
      tpu.enqueue_indirect_dma source(%dma_start3A_72 : memref<20480x128xf32, #tpu.memory_space<hbm>>) target(%arg9 : memref<128x128xf32, #tpu.memory_space<vmem>>) offsets(%dma_start3A_69 : memref<128xi32, #tpu.memory_space<vmem>>) semaphore(%arg12 : memref<!tpu.dma_semaphore, #tpu.memory_space<semaphore_mem>>)
      "tpu.region"() ({
        %run_scoped3A = tpu.sem_alloc : memref<!tpu.dma_semaphore, #tpu.memory_space<semaphore_mem>>
        %dma_start3A_82 = arith.constant 0 : i32
        %dma_start3A_83 = tpu.memref_slice %arg7[%mul3A_59, %dma_start3A_82] : memref<40x128xi32, #tpu.memory_space<vmem>> -> memref<1x128xi32, #tpu.memory_space<vmem>>
        %dma_start3A_84 = tpu.memref_squeeze %dma_start3A_83 : memref<1x128xi32, #tpu.memory_space<vmem>> -> memref<128xi32, #tpu.memory_space<vmem>>
        %dma_start3A_85 = arith.constant 0 : i32
        %dma_start3A_86 = arith.constant 0 : i32
        %dma_start3A_87 = tpu.memref_slice %arg10[%dma_start3A_85, %dma_start3A_86] : memref<10240x128xf32, #tpu.memory_space<vmem_shared>> -> memref<10240x128xf32, #tpu.memory_space<vmem_shared>>
        tpu.enqueue_indirect_dma source(%arg8 : memref<128x128xf32, #tpu.memory_space<vmem>>) target(%dma_start3A_87 : memref<10240x128xf32, #tpu.memory_space<vmem_shared>>) offsets(%dma_start3A_84 : memref<128xi32, #tpu.memory_space<vmem>>) semaphore(%run_scoped3A : memref<!tpu.dma_semaphore, #tpu.memory_space<semaphore_mem>>) {add = true}
        %dma_wait3A_88 = arith.constant 0 : i32
        %dma_wait3A_89 = tpu.memref_slice %arg7[%mul3A_59, %dma_wait3A_88] : memref<40x128xi32, #tpu.memory_space<vmem>> -> memref<1x128xi32, #tpu.memory_space<vmem>>
        %dma_wait3A_90 = tpu.memref_squeeze %dma_wait3A_89 : memref<1x128xi32, #tpu.memory_space<vmem>> -> memref<128xi32, #tpu.memory_space<vmem>>
        %dma_wait3A_91 = arith.constant 0 : i32
        %dma_wait3A_92 = arith.constant 0 : i32
        %dma_wait3A_93 = tpu.memref_slice %arg10[%dma_wait3A_91, %dma_wait3A_92] : memref<10240x128xf32, #tpu.memory_space<vmem_shared>> -> memref<10240x128xf32, #tpu.memory_space<vmem_shared>>
        tpu.wait_indirect_dma semaphore(%run_scoped3A : memref<!tpu.dma_semaphore, #tpu.memory_space<semaphore_mem>>) src(%arg8 : memref<128x128xf32, #tpu.memory_space<vmem>>) dst(%dma_wait3A_93 : memref<10240x128xf32, #tpu.memory_space<vmem_shared>>)
        tpu.yield
      }) : () -> ()
      %lt3A = arith.constant 19 : i32
      %lt3A_73 = arith.cmpi slt, %scan3A_56, %lt3A : i32
      %convert_element_type3A = arith.extui %lt3A_73 : i1 to i32
      %cond3A = arith.constant 0 : i32
      %cond3A_74 = arith.cmpi ne, %convert_element_type3A, %cond3A : i32
      scf.if %cond3A_74 {
        %add3A_82 = arith.constant 2 : i32
        %add3A_83 = arith.addi %mul3A_59, %add3A_82 : i32
        %dma_start3A_84 = arith.constant 0 : i32
        %dma_start3A_85 = tpu.memref_slice %arg6[%add3A_83, %dma_start3A_84] : memref<40x128xi32, #tpu.memory_space<vmem>> -> memref<1x128xi32, #tpu.memory_space<vmem>>
        %dma_start3A_86 = tpu.memref_squeeze %dma_start3A_85 : memref<1x128xi32, #tpu.memory_space<vmem>> -> memref<128xi32, #tpu.memory_space<vmem>>
        %dma_start3A_87 = arith.constant 0 : i32
        %dma_start3A_88 = arith.constant 0 : i32
        %dma_start3A_89 = tpu.memref_slice %arg2[%dma_start3A_87, %dma_start3A_88] : memref<20480x128xf32, #tpu.memory_space<hbm>> -> memref<20480x128xf32, #tpu.memory_space<hbm>>
        tpu.enqueue_indirect_dma source(%dma_start3A_89 : memref<20480x128xf32, #tpu.memory_space<hbm>>) target(%arg8 : memref<128x128xf32, #tpu.memory_space<vmem>>) offsets(%dma_start3A_86 : memref<128xi32, #tpu.memory_space<vmem>>) semaphore(%arg11 : memref<!tpu.dma_semaphore, #tpu.memory_space<semaphore_mem>>)
      } else {
      }
      %dma_wait3A_75 = arith.constant 0 : i32
      %dma_wait3A_76 = tpu.memref_slice %arg6[%add3A_61, %dma_wait3A_75] : memref<40x128xi32, #tpu.memory_space<vmem>> -> memref<1x128xi32, #tpu.memory_space<vmem>>
      %dma_wait3A_77 = tpu.memref_squeeze %dma_wait3A_76 : memref<1x128xi32, #tpu.memory_space<vmem>> -> memref<128xi32, #tpu.memory_space<vmem>>
      %dma_wait3A_78 = arith.constant 0 : i32
      %dma_wait3A_79 = arith.constant 0 : i32
      %dma_wait3A_80 = tpu.memref_slice %arg2[%dma_wait3A_78, %dma_wait3A_79] : memref<20480x128xf32, #tpu.memory_space<hbm>> -> memref<20480x128xf32, #tpu.memory_space<hbm>>
      tpu.wait_indirect_dma semaphore(%arg12 : memref<!tpu.dma_semaphore, #tpu.memory_space<semaphore_mem>>) src(%dma_wait3A_80 : memref<20480x128xf32, #tpu.memory_space<hbm>>) dst(%arg9 : memref<128x128xf32, #tpu.memory_space<vmem>>)
      "tpu.region"() ({
        %run_scoped3A = tpu.sem_alloc : memref<!tpu.dma_semaphore, #tpu.memory_space<semaphore_mem>>
        %dma_start3A_82 = arith.constant 0 : i32
        %dma_start3A_83 = tpu.memref_slice %arg7[%add3A_61, %dma_start3A_82] : memref<40x128xi32, #tpu.memory_space<vmem>> -> memref<1x128xi32, #tpu.memory_space<vmem>>
        %dma_start3A_84 = tpu.memref_squeeze %dma_start3A_83 : memref<1x128xi32, #tpu.memory_space<vmem>> -> memref<128xi32, #tpu.memory_space<vmem>>
        %dma_start3A_85 = arith.constant 0 : i32
        %dma_start3A_86 = arith.constant 0 : i32
        %dma_start3A_87 = tpu.memref_slice %arg10[%dma_start3A_85, %dma_start3A_86] : memref<10240x128xf32, #tpu.memory_space<vmem_shared>> -> memref<10240x128xf32, #tpu.memory_space<vmem_shared>>
        tpu.enqueue_indirect_dma source(%arg9 : memref<128x128xf32, #tpu.memory_space<vmem>>) target(%dma_start3A_87 : memref<10240x128xf32, #tpu.memory_space<vmem_shared>>) offsets(%dma_start3A_84 : memref<128xi32, #tpu.memory_space<vmem>>) semaphore(%run_scoped3A : memref<!tpu.dma_semaphore, #tpu.memory_space<semaphore_mem>>) {add = true}
        %dma_wait3A_88 = arith.constant 0 : i32
        %dma_wait3A_89 = tpu.memref_slice %arg7[%add3A_61, %dma_wait3A_88] : memref<40x128xi32, #tpu.memory_space<vmem>> -> memref<1x128xi32, #tpu.memory_space<vmem>>
        %dma_wait3A_90 = tpu.memref_squeeze %dma_wait3A_89 : memref<1x128xi32, #tpu.memory_space<vmem>> -> memref<128xi32, #tpu.memory_space<vmem>>
        %dma_wait3A_91 = arith.constant 0 : i32
        %dma_wait3A_92 = arith.constant 0 : i32
        %dma_wait3A_93 = tpu.memref_slice %arg10[%dma_wait3A_91, %dma_wait3A_92] : memref<10240x128xf32, #tpu.memory_space<vmem_shared>> -> memref<10240x128xf32, #tpu.memory_space<vmem_shared>>
        tpu.wait_indirect_dma semaphore(%run_scoped3A : memref<!tpu.dma_semaphore, #tpu.memory_space<semaphore_mem>>) src(%arg9 : memref<128x128xf32, #tpu.memory_space<vmem>>) dst(%dma_wait3A_93 : memref<10240x128xf32, #tpu.memory_space<vmem_shared>>)
        tpu.yield
      }) : () -> ()
      %scan3A_81 = arith.constant 0 : i32
      scf.yield %scan3A_81 : i32
    }
    %scan3A_50 = arith.constant 20 : i32
    %barrier3A_51 = arith.constant 0 : index
    tpu.barrier barrier_id(%barrier3A_51)
    %mul3A_52 = arith.constant 640 : i32
    %mul3A_53 = arith.muli %arg1, %mul3A_52 : i32
    %mul3A_54 = arith.constant 640 : i32
    %mul3A_55 = arith.muli %arg1, %mul3A_54 : i32
    "tpu.region"() ({
      %run_scoped3A = tpu.sem_alloc : memref<!tpu.dma_semaphore, #tpu.memory_space<semaphore_mem>>
      %dma_start3A_56 = arith.constant 0 : i32
      %dma_start3A_57 = arith.constant 0 : i32
      %dma_start3A_58 = tpu.memref_slice %arg5[%arg0, %dma_start3A_56, %dma_start3A_57] : memref<2x10240x128xf32, #tpu.memory_space<hbm>> -> memref<1x10240x128xf32, #tpu.memory_space<hbm>>
      %dma_start3A_59 = tpu.memref_squeeze %dma_start3A_58 : memref<1x10240x128xf32, #tpu.memory_space<hbm>> -> memref<10240x128xf32, #tpu.memory_space<hbm>>
      %dma_start3A_60 = arith.constant 0 : i32
      %dma_start3A_61 = tpu.memref_slice %dma_start3A_59[%mul3A_55, %dma_start3A_60] : memref<10240x128xf32, #tpu.memory_space<hbm>> -> memref<640x128xf32, #tpu.memory_space<hbm>>
      %dma_start3A_62 = arith.constant 0 : i32
      %dma_start3A_63 = tpu.memref_slice %arg10[%mul3A_53, %dma_start3A_62] : memref<10240x128xf32, #tpu.memory_space<vmem_shared>> -> memref<640x128xf32, #tpu.memory_space<vmem_shared>>
      tpu.enqueue_dma source(%dma_start3A_63 : memref<640x128xf32, #tpu.memory_space<vmem_shared>>) target(%dma_start3A_61 : memref<640x128xf32, #tpu.memory_space<hbm>>) target_semaphore(%run_scoped3A : memref<!tpu.dma_semaphore, #tpu.memory_space<semaphore_mem>>)
      %dma_wait3A = arith.constant 0 : i32
      %dma_wait3A_64 = arith.constant 0 : i32
      %dma_wait3A_65 = tpu.memref_slice %arg5[%arg0, %dma_wait3A, %dma_wait3A_64] : memref<2x10240x128xf32, #tpu.memory_space<hbm>> -> memref<1x10240x128xf32, #tpu.memory_space<hbm>>
      %dma_wait3A_66 = tpu.memref_squeeze %dma_wait3A_65 : memref<1x10240x128xf32, #tpu.memory_space<hbm>> -> memref<10240x128xf32, #tpu.memory_space<hbm>>
      %dma_wait3A_67 = arith.constant 0 : i32
      %dma_wait3A_68 = tpu.memref_slice %dma_wait3A_66[%mul3A_55, %dma_wait3A_67] : memref<10240x128xf32, #tpu.memory_space<hbm>> -> memref<640x128xf32, #tpu.memory_space<hbm>>
      %dma_wait3A_69 = arith.constant 0 : i32
      %dma_wait3A_70 = tpu.memref_slice %arg10[%mul3A_53, %dma_wait3A_69] : memref<10240x128xf32, #tpu.memory_space<vmem_shared>> -> memref<640x128xf32, #tpu.memory_space<vmem_shared>>
      tpu.wait_dma2 semaphore(%run_scoped3A : memref<!tpu.dma_semaphore, #tpu.memory_space<semaphore_mem>>) src(%dma_wait3A_70 : memref<640x128xf32, #tpu.memory_space<vmem_shared>>) dst(%dma_wait3A_68 : memref<640x128xf32, #tpu.memory_space<hbm>>)
      tpu.yield
    }) : () -> ()
    return
  }
}

#map = affine_map<(d0, d1) -> (0, 0, 0, 0)>
#map1 = affine_map<(d0, d1) -> (0, 0)>
module attributes {stable_mosaic.version = 14 : i64} {
  func.func @_deg_kernel(%arg0: i32, %arg1: i32, %arg2: memref<2x16x40x128xi32, #tpu.memory_space<hbm>>, %arg3: memref<2x10240xf32, #tpu.memory_space<hbm>>, %arg4: memref<40x128xi32, #tpu.memory_space<vmem>>, %arg5: memref<640xf32, #tpu.memory_space<vmem>>, %arg6: memref<128xf32, #tpu.memory_space<vmem>>, %arg7: memref<10240xf32, #tpu.memory_space<vmem_shared>>) attributes {dimension_semantics = [#tpu.dimension_semantics<core_parallel>, #tpu.dimension_semantics<subcore_parallel>], iteration_bounds = array<i64: 2, 16>, scalar_prefetch = 0 : i64, scratch_operands = 4 : i64, tpu.core_type = #tpu.core_type<sc_vector_subcore>, window_params = [{transform_indices = #map}, {transform_indices = #map1}]} {
    %scan3A = arith.constant 0 : i32
    %scan3A_0 = arith.constant 0 : i32
    %scan3A_1 = arith.constant 40 : i32
    %scan3A_2 = arith.addi %scan3A_0, %scan3A_1 : i32
    %scan3A_3 = arith.constant 1 : i32
    %scan3A_4 = scf.for %scan3A_65 = %scan3A_0 to %scan3A_2 step %scan3A_3 iter_args(%scan3A_66 = %scan3A) -> (i32)  : i32 {
      %broadcast_in_dim3A_67 = arith.constant 0.000000e+00 : f32
      %broadcast_in_dim3A_68 = vector.broadcast %broadcast_in_dim3A_67 : f32 to vector<16xf32>
      %mul3A_69 = arith.constant 16 : i32
      %mul3A_70 = arith.muli %scan3A_65, %mul3A_69 : i32
      %swap3A_71 = arith.index_cast %mul3A_70 : i32 to index
      %swap3A_72 = tpu.vector_load %arg5[%swap3A_71] {strides = array<i32>} : memref<640xf32, #tpu.memory_space<vmem>>, vector<16xf32>,
      %swap3A_73 = vector.shape_cast %swap3A_72 : vector<16xf32> to vector<16xf32>
      %swap3A_74 = vector.shape_cast %broadcast_in_dim3A_68 : vector<16xf32> to vector<16xf32>
      tpu.vector_store %arg5[%swap3A_71], %swap3A_74 {strides = array<i32>} : memref<640xf32, #tpu.memory_space<vmem>>, vector<16xf32>,
      %scan3A_75 = arith.constant 0 : i32
      scf.yield %scan3A_75 : i32
    }
    %scan3A_5 = arith.constant 40 : i32
    %broadcast_in_dim3A = arith.constant 1.000000e+00 : f32
    %broadcast_in_dim3A_6 = vector.broadcast %broadcast_in_dim3A : f32 to vector<16xf32>
    %swap3A = arith.constant 0 : index
    %swap3A_7 = tpu.vector_load %arg6[%swap3A] {strides = array<i32>} : memref<128xf32, #tpu.memory_space<vmem>>, vector<16xf32>,
    %swap3A_8 = vector.shape_cast %swap3A_7 : vector<16xf32> to vector<16xf32>
    %swap3A_9 = vector.shape_cast %broadcast_in_dim3A_6 : vector<16xf32> to vector<16xf32>
    tpu.vector_store %arg6[%swap3A], %swap3A_9 {strides = array<i32>} : memref<128xf32, #tpu.memory_space<vmem>>, vector<16xf32>,
    %broadcast_in_dim3A_10 = arith.constant 1.000000e+00 : f32
    %broadcast_in_dim3A_11 = vector.broadcast %broadcast_in_dim3A_10 : f32 to vector<16xf32>
    %swap3A_12 = arith.constant 16 : index
    %swap3A_13 = tpu.vector_load %arg6[%swap3A_12] {strides = array<i32>} : memref<128xf32, #tpu.memory_space<vmem>>, vector<16xf32>,
    %swap3A_14 = vector.shape_cast %swap3A_13 : vector<16xf32> to vector<16xf32>
    %swap3A_15 = vector.shape_cast %broadcast_in_dim3A_11 : vector<16xf32> to vector<16xf32>
    tpu.vector_store %arg6[%swap3A_12], %swap3A_15 {strides = array<i32>} : memref<128xf32, #tpu.memory_space<vmem>>, vector<16xf32>,
    %broadcast_in_dim3A_16 = arith.constant 1.000000e+00 : f32
    %broadcast_in_dim3A_17 = vector.broadcast %broadcast_in_dim3A_16 : f32 to vector<16xf32>
    %swap3A_18 = arith.constant 32 : index
    %swap3A_19 = tpu.vector_load %arg6[%swap3A_18] {strides = array<i32>} : memref<128xf32, #tpu.memory_space<vmem>>, vector<16xf32>,
    %swap3A_20 = vector.shape_cast %swap3A_19 : vector<16xf32> to vector<16xf32>
    %swap3A_21 = vector.shape_cast %broadcast_in_dim3A_17 : vector<16xf32> to vector<16xf32>
    tpu.vector_store %arg6[%swap3A_18], %swap3A_21 {strides = array<i32>} : memref<128xf32, #tpu.memory_space<vmem>>, vector<16xf32>,
    %broadcast_in_dim3A_22 = arith.constant 1.000000e+00 : f32
    %broadcast_in_dim3A_23 = vector.broadcast %broadcast_in_dim3A_22 : f32 to vector<16xf32>
    %swap3A_24 = arith.constant 48 : index
    %swap3A_25 = tpu.vector_load %arg6[%swap3A_24] {strides = array<i32>} : memref<128xf32, #tpu.memory_space<vmem>>, vector<16xf32>,
    %swap3A_26 = vector.shape_cast %swap3A_25 : vector<16xf32> to vector<16xf32>
    %swap3A_27 = vector.shape_cast %broadcast_in_dim3A_23 : vector<16xf32> to vector<16xf32>
    tpu.vector_store %arg6[%swap3A_24], %swap3A_27 {strides = array<i32>} : memref<128xf32, #tpu.memory_space<vmem>>, vector<16xf32>,
    %broadcast_in_dim3A_28 = arith.constant 1.000000e+00 : f32
    %broadcast_in_dim3A_29 = vector.broadcast %broadcast_in_dim3A_28 : f32 to vector<16xf32>
    %swap3A_30 = arith.constant 64 : index
    %swap3A_31 = tpu.vector_load %arg6[%swap3A_30] {strides = array<i32>} : memref<128xf32, #tpu.memory_space<vmem>>, vector<16xf32>,
    %swap3A_32 = vector.shape_cast %swap3A_31 : vector<16xf32> to vector<16xf32>
    %swap3A_33 = vector.shape_cast %broadcast_in_dim3A_29 : vector<16xf32> to vector<16xf32>
    tpu.vector_store %arg6[%swap3A_30], %swap3A_33 {strides = array<i32>} : memref<128xf32, #tpu.memory_space<vmem>>, vector<16xf32>,
    %broadcast_in_dim3A_34 = arith.constant 1.000000e+00 : f32
    %broadcast_in_dim3A_35 = vector.broadcast %broadcast_in_dim3A_34 : f32 to vector<16xf32>
    %swap3A_36 = arith.constant 80 : index
    %swap3A_37 = tpu.vector_load %arg6[%swap3A_36] {strides = array<i32>} : memref<128xf32, #tpu.memory_space<vmem>>, vector<16xf32>,
    %swap3A_38 = vector.shape_cast %swap3A_37 : vector<16xf32> to vector<16xf32>
    %swap3A_39 = vector.shape_cast %broadcast_in_dim3A_35 : vector<16xf32> to vector<16xf32>
    tpu.vector_store %arg6[%swap3A_36], %swap3A_39 {strides = array<i32>} : memref<128xf32, #tpu.memory_space<vmem>>, vector<16xf32>,
    %broadcast_in_dim3A_40 = arith.constant 1.000000e+00 : f32
    %broadcast_in_dim3A_41 = vector.broadcast %broadcast_in_dim3A_40 : f32 to vector<16xf32>
    %swap3A_42 = arith.constant 96 : index
    %swap3A_43 = tpu.vector_load %arg6[%swap3A_42] {strides = array<i32>} : memref<128xf32, #tpu.memory_space<vmem>>, vector<16xf32>,
    %swap3A_44 = vector.shape_cast %swap3A_43 : vector<16xf32> to vector<16xf32>
    %swap3A_45 = vector.shape_cast %broadcast_in_dim3A_41 : vector<16xf32> to vector<16xf32>
    tpu.vector_store %arg6[%swap3A_42], %swap3A_45 {strides = array<i32>} : memref<128xf32, #tpu.memory_space<vmem>>, vector<16xf32>,
    %broadcast_in_dim3A_46 = arith.constant 1.000000e+00 : f32
    %broadcast_in_dim3A_47 = vector.broadcast %broadcast_in_dim3A_46 : f32 to vector<16xf32>
    %swap3A_48 = arith.constant 112 : index
    %swap3A_49 = tpu.vector_load %arg6[%swap3A_48] {strides = array<i32>} : memref<128xf32, #tpu.memory_space<vmem>>, vector<16xf32>,
    %swap3A_50 = vector.shape_cast %swap3A_49 : vector<16xf32> to vector<16xf32>
    %swap3A_51 = vector.shape_cast %broadcast_in_dim3A_47 : vector<16xf32> to vector<16xf32>
    tpu.vector_store %arg6[%swap3A_48], %swap3A_51 {strides = array<i32>} : memref<128xf32, #tpu.memory_space<vmem>>, vector<16xf32>,
    %mul3A = arith.constant 640 : i32
    %mul3A_52 = arith.muli %arg1, %mul3A : i32
    "tpu.region"() ({
      %run_scoped3A = tpu.sem_alloc : memref<!tpu.dma_semaphore, #tpu.memory_space<semaphore_mem>>
      %dma_start3A = tpu.memref_slice %arg7[%mul3A_52] : memref<10240xf32, #tpu.memory_space<vmem_shared>> -> memref<640xf32, #tpu.memory_space<vmem_shared>>
      %dma_start3A_65 = tpu.memref_slice %arg7[%mul3A_52] : memref<10240xf32, #tpu.memory_space<vmem_shared>> -> memref<640xf32, #tpu.memory_space<vmem_shared>>
      tpu.enqueue_dma source(%arg5 : memref<640xf32, #tpu.memory_space<vmem>>) target(%dma_start3A_65 : memref<640xf32, #tpu.memory_space<vmem_shared>>) target_semaphore(%run_scoped3A : memref<!tpu.dma_semaphore, #tpu.memory_space<semaphore_mem>>)
      %dma_wait3A = tpu.memref_slice %arg7[%mul3A_52] : memref<10240xf32, #tpu.memory_space<vmem_shared>> -> memref<640xf32, #tpu.memory_space<vmem_shared>>
      %dma_wait3A_66 = tpu.memref_slice %arg7[%mul3A_52] : memref<10240xf32, #tpu.memory_space<vmem_shared>> -> memref<640xf32, #tpu.memory_space<vmem_shared>>
      tpu.wait_dma2 semaphore(%run_scoped3A : memref<!tpu.dma_semaphore, #tpu.memory_space<semaphore_mem>>) src(%arg5 : memref<640xf32, #tpu.memory_space<vmem>>) dst(%dma_wait3A_66 : memref<640xf32, #tpu.memory_space<vmem_shared>>)
      tpu.yield
    }) : () -> ()
    "tpu.region"() ({
      %run_scoped3A = tpu.sem_alloc : memref<!tpu.dma_semaphore, #tpu.memory_space<semaphore_mem>>
      %dma_start3A = arith.constant 0 : i32
      %dma_start3A_65 = arith.constant 0 : i32
      %dma_start3A_66 = tpu.memref_slice %arg2[%arg0, %arg1, %dma_start3A, %dma_start3A_65] : memref<2x16x40x128xi32, #tpu.memory_space<hbm>> -> memref<1x1x40x128xi32, #tpu.memory_space<hbm>>
      %dma_start3A_67 = tpu.memref_squeeze %dma_start3A_66 : memref<1x1x40x128xi32, #tpu.memory_space<hbm>> -> memref<40x128xi32, #tpu.memory_space<hbm>>
      %dma_start3A_68 = arith.constant 0 : i32
      %dma_start3A_69 = arith.constant 0 : i32
      %dma_start3A_70 = tpu.memref_slice %arg2[%arg0, %arg1, %dma_start3A_68, %dma_start3A_69] : memref<2x16x40x128xi32, #tpu.memory_space<hbm>> -> memref<1x1x40x128xi32, #tpu.memory_space<hbm>>
      %dma_start3A_71 = tpu.memref_squeeze %dma_start3A_70 : memref<1x1x40x128xi32, #tpu.memory_space<hbm>> -> memref<40x128xi32, #tpu.memory_space<hbm>>
      tpu.enqueue_dma source(%dma_start3A_71 : memref<40x128xi32, #tpu.memory_space<hbm>>) target(%arg4 : memref<40x128xi32, #tpu.memory_space<vmem>>) target_semaphore(%run_scoped3A : memref<!tpu.dma_semaphore, #tpu.memory_space<semaphore_mem>>)
      %dma_wait3A = arith.constant 0 : i32
      %dma_wait3A_72 = arith.constant 0 : i32
      %dma_wait3A_73 = tpu.memref_slice %arg2[%arg0, %arg1, %dma_wait3A, %dma_wait3A_72] : memref<2x16x40x128xi32, #tpu.memory_space<hbm>> -> memref<1x1x40x128xi32, #tpu.memory_space<hbm>>
      %dma_wait3A_74 = tpu.memref_squeeze %dma_wait3A_73 : memref<1x1x40x128xi32, #tpu.memory_space<hbm>> -> memref<40x128xi32, #tpu.memory_space<hbm>>
      %dma_wait3A_75 = arith.constant 0 : i32
      %dma_wait3A_76 = arith.constant 0 : i32
      %dma_wait3A_77 = tpu.memref_slice %arg2[%arg0, %arg1, %dma_wait3A_75, %dma_wait3A_76] : memref<2x16x40x128xi32, #tpu.memory_space<hbm>> -> memref<1x1x40x128xi32, #tpu.memory_space<hbm>>
      %dma_wait3A_78 = tpu.memref_squeeze %dma_wait3A_77 : memref<1x1x40x128xi32, #tpu.memory_space<hbm>> -> memref<40x128xi32, #tpu.memory_space<hbm>>
      tpu.wait_dma2 semaphore(%run_scoped3A : memref<!tpu.dma_semaphore, #tpu.memory_space<semaphore_mem>>) src(%dma_wait3A_78 : memref<40x128xi32, #tpu.memory_space<hbm>>) dst(%arg4 : memref<40x128xi32, #tpu.memory_space<vmem>>)
      tpu.yield
    }) : () -> ()
    %barrier3A = arith.constant 0 : index
    tpu.barrier barrier_id(%barrier3A)
    %scan3A_53 = arith.constant 0 : i32
    %scan3A_54 = arith.constant 0 : i32
    %scan3A_55 = arith.constant 40 : i32
    %scan3A_56 = arith.addi %scan3A_54, %scan3A_55 : i32
    %scan3A_57 = arith.constant 1 : i32
    %scan3A_58 = scf.for %scan3A_65 = %scan3A_54 to %scan3A_56 step %scan3A_57 iter_args(%scan3A_66 = %scan3A_53) -> (i32)  : i32 {
      "tpu.region"() ({
        %run_scoped3A = tpu.sem_alloc : memref<!tpu.dma_semaphore, #tpu.memory_space<semaphore_mem>>
        %dma_start3A = arith.constant 0 : i32
        %dma_start3A_68 = tpu.memref_slice %arg4[%scan3A_65, %dma_start3A] : memref<40x128xi32, #tpu.memory_space<vmem>> -> memref<1x128xi32, #tpu.memory_space<vmem>>
        %dma_start3A_69 = tpu.memref_squeeze %dma_start3A_68 : memref<1x128xi32, #tpu.memory_space<vmem>> -> memref<128xi32, #tpu.memory_space<vmem>>
        %dma_start3A_70 = arith.constant 0 : i32
        %dma_start3A_71 = tpu.memref_slice %arg7[%dma_start3A_70] : memref<10240xf32, #tpu.memory_space<vmem_shared>> -> memref<10240xf32, #tpu.memory_space<vmem_shared>>
        tpu.enqueue_indirect_dma source(%arg6 : memref<128xf32, #tpu.memory_space<vmem>>) target(%dma_start3A_71 : memref<10240xf32, #tpu.memory_space<vmem_shared>>) offsets(%dma_start3A_69 : memref<128xi32, #tpu.memory_space<vmem>>) semaphore(%run_scoped3A : memref<!tpu.dma_semaphore, #tpu.memory_space<semaphore_mem>>) {add = true}
        %dma_wait3A = arith.constant 0 : i32
        %dma_wait3A_72 = tpu.memref_slice %arg4[%scan3A_65, %dma_wait3A] : memref<40x128xi32, #tpu.memory_space<vmem>> -> memref<1x128xi32, #tpu.memory_space<vmem>>
        %dma_wait3A_73 = tpu.memref_squeeze %dma_wait3A_72 : memref<1x128xi32, #tpu.memory_space<vmem>> -> memref<128xi32, #tpu.memory_space<vmem>>
        %dma_wait3A_74 = arith.constant 0 : i32
        %dma_wait3A_75 = tpu.memref_slice %arg7[%dma_wait3A_74] : memref<10240xf32, #tpu.memory_space<vmem_shared>> -> memref<10240xf32, #tpu.memory_space<vmem_shared>>
        tpu.wait_indirect_dma semaphore(%run_scoped3A : memref<!tpu.dma_semaphore, #tpu.memory_space<semaphore_mem>>) src(%arg6 : memref<128xf32, #tpu.memory_space<vmem>>) dst(%dma_wait3A_75 : memref<10240xf32, #tpu.memory_space<vmem_shared>>)
        tpu.yield
      }) : () -> ()
      %scan3A_67 = arith.constant 0 : i32
      scf.yield %scan3A_67 : i32
    }
    %scan3A_59 = arith.constant 40 : i32
    %barrier3A_60 = arith.constant 0 : index
    tpu.barrier barrier_id(%barrier3A_60)
    %mul3A_61 = arith.constant 640 : i32
    %mul3A_62 = arith.muli %arg1, %mul3A_61 : i32
    %mul3A_63 = arith.constant 640 : i32
    %mul3A_64 = arith.muli %arg1, %mul3A_63 : i32
    "tpu.region"() ({
      %run_scoped3A = tpu.sem_alloc : memref<!tpu.dma_semaphore, #tpu.memory_space<semaphore_mem>>
      %dma_start3A = arith.constant 0 : i32
      %dma_start3A_65 = tpu.memref_slice %arg3[%arg0, %dma_start3A] : memref<2x10240xf32, #tpu.memory_space<hbm>> -> memref<1x10240xf32, #tpu.memory_space<hbm>>
      %dma_start3A_66 = tpu.memref_squeeze %dma_start3A_65 : memref<1x10240xf32, #tpu.memory_space<hbm>> -> memref<10240xf32, #tpu.memory_space<hbm>>
      %dma_start3A_67 = tpu.memref_slice %dma_start3A_66[%mul3A_64] : memref<10240xf32, #tpu.memory_space<hbm>> -> memref<640xf32, #tpu.memory_space<hbm>>
      %dma_start3A_68 = tpu.memref_slice %arg7[%mul3A_62] : memref<10240xf32, #tpu.memory_space<vmem_shared>> -> memref<640xf32, #tpu.memory_space<vmem_shared>>
      tpu.enqueue_dma source(%dma_start3A_68 : memref<640xf32, #tpu.memory_space<vmem_shared>>) target(%dma_start3A_67 : memref<640xf32, #tpu.memory_space<hbm>>) target_semaphore(%run_scoped3A : memref<!tpu.dma_semaphore, #tpu.memory_space<semaphore_mem>>)
      %dma_wait3A = arith.constant 0 : i32
      %dma_wait3A_69 = tpu.memref_slice %arg3[%arg0, %dma_wait3A] : memref<2x10240xf32, #tpu.memory_space<hbm>> -> memref<1x10240xf32, #tpu.memory_space<hbm>>
      %dma_wait3A_70 = tpu.memref_squeeze %dma_wait3A_69 : memref<1x10240xf32, #tpu.memory_space<hbm>> -> memref<10240xf32, #tpu.memory_space<hbm>>
      %dma_wait3A_71 = tpu.memref_slice %dma_wait3A_70[%mul3A_64] : memref<10240xf32, #tpu.memory_space<hbm>> -> memref<640xf32, #tpu.memory_space<hbm>>
      %dma_wait3A_72 = tpu.memref_slice %arg7[%mul3A_62] : memref<10240xf32, #tpu.memory_space<vmem_shared>> -> memref<640xf32, #tpu.memory_space<vmem_shared>>
      tpu.wait_dma2 semaphore(%run_scoped3A : memref<!tpu.dma_semaphore, #tpu.memory_space<semaphore_mem>>) src(%dma_wait3A_72 : memref<640xf32, #tpu.memory_space<vmem_shared>>) dst(%dma_wait3A_71 : memref<640xf32, #tpu.memory_space<hbm>>)
      tpu.yield
    }) : () -> ()
    return
  }
}

module attributes {stable_mosaic.version = 14 : i64} {
  func.func @_matmul_scale(%arg0: i32, %arg1: memref<2048x256xf32, #tpu.memory_space<vmem>>, %arg2: memref<256x256xf32, #tpu.memory_space<vmem>>, %arg3: memref<2x2048xf32, #tpu.memory_space<vmem>>, %arg4: memref<2048x256xf32, #tpu.memory_space<vmem>>, %arg5: memref<2048xf32, #tpu.memory_space<vmem>>) attributes {dimension_semantics = [#tpu.dimension_semantics<arbitrary>], iteration_bounds = array<i64: 5>, scalar_prefetch = 0 : i64, scratch_operands = 0 : i64, tpu.core_type = #tpu.core_type<tc>, window_params = [{transform_indices = @transform_0, window_bounds = array<i64: 2048, 256>}, {pipeline_mode = #tpu.pipeline_mode<synchronous>, transform_indices = @transform_1, window_bounds = array<i64: 256, 256>}, {transform_indices = @transform_2, window_bounds = array<i64: 2, 2048>}, {transform_indices = @transform_3, window_bounds = array<i64: 2048, 256>}, {transform_indices = @transform_4, window_bounds = array<i64: 2048>}]} {
    %get3A = arith.constant 0 : index
    %get3A_0 = arith.constant 0 : index
    %get3A_1 = vector.load %arg3[%get3A, %get3A_0] : memref<2x2048xf32, #tpu.memory_space<vmem>>, vector<1x2048xf32>
    %get3A_2 = vector.shape_cast %get3A_1 : vector<1x2048xf32> to vector<2048xf32>
    %add3A = arith.constant 1.000000e+00 : f32
    %add3A_3 = vector.broadcast %add3A : f32 to vector<2048xf32>
    %add3A_4 = arith.addf %add3A_3, %get3A_2 : vector<2048xf32>
    %get3A_5 = arith.constant 1 : index
    %get3A_6 = arith.constant 0 : index
    %get3A_7 = vector.load %arg3[%get3A_5, %get3A_6] : memref<2x2048xf32, #tpu.memory_space<vmem>>, vector<1x2048xf32>
    %get3A_8 = vector.shape_cast %get3A_7 : vector<1x2048xf32> to vector<2048xf32>
    %add3A_9 = arith.addf %add3A_4, %get3A_8 : vector<2048xf32>
    %rsqrt3A = math.rsqrt %add3A_9 : vector<2048xf32>
    %get3A_10 = arith.constant 0 : index
    %get3A_11 = arith.constant 0 : index
    %get3A_12 = vector.load %arg1[%get3A_10, %get3A_11] : memref<2048x256xf32, #tpu.memory_space<vmem>>, vector<2048x256xf32>
    %get3A_13 = arith.constant 0 : index
    %get3A_14 = arith.constant 0 : index
    %get3A_15 = vector.load %arg2[%get3A_13, %get3A_14] : memref<256x256xf32, #tpu.memory_space<vmem>>, vector<256x256xf32>
    %dot_general3A = arith.constant dense<0.000000e+00> : vector<2048x256xf32>
    %dot_general3A_16 = tpu.matmul %get3A_12, %get3A_15, %dot_general3A {dimension_numbers = #tpu.dot_dimension_numbers<[1], [0], [0], [1], [0, 0, 1, 1], [], []>, transpose_lhs_hint = false} : vector<2048x256xf32>, vector<256x256xf32>, vector<2048x256xf32> -> vector<2048x256xf32>
    %broadcast_in_dim3A = vector.shape_cast %rsqrt3A : vector<2048xf32> to vector<2048x1xf32>
    %mul3A = vector.broadcast %broadcast_in_dim3A : vector<2048x1xf32> to vector<2048x256xf32>
    %mul3A_17 = arith.mulf %dot_general3A_16, %mul3A : vector<2048x256xf32>
    %swap3A = arith.constant 0 : index
    %swap3A_18 = arith.constant 0 : index
    %swap3A_19 = vector.load %arg4[%swap3A, %swap3A_18] : memref<2048x256xf32, #tpu.memory_space<vmem>>, vector<2048x256xf32>
    tpu.vector_store %arg4[%swap3A, %swap3A_18], %mul3A_17 {strides = array<i32>} : memref<2048x256xf32, #tpu.memory_space<vmem>>, vector<2048x256xf32>,
    %swap3A_20 = arith.constant 0 : index
    %swap3A_21 = vector.load %arg5[%swap3A_20] : memref<2048xf32, #tpu.memory_space<vmem>>, vector<2048xf32>
    tpu.vector_store %arg5[%swap3A_20], %rsqrt3A {strides = array<i32>} : memref<2048xf32, #tpu.memory_space<vmem>>, vector<2048xf32>,
    return
  }
  func.func @transform_0(%arg0: i32) -> (i32, i32) {
    %c0_i32 = arith.constant 0 : i32
    %c0_i32_0 = arith.constant 0 : i32
    return %arg0, %c0_i32 : i32, i32
  }
  func.func @transform_1(%arg0: i32) -> (i32, i32) {
    %c0_i32 = arith.constant 0 : i32
    %c0_i32_0 = arith.constant 0 : i32
    %c0_i32_1 = arith.constant 0 : i32
    return %c0_i32, %c0_i32_0 : i32, i32
  }
  func.func @transform_2(%arg0: i32) -> (i32, i32) {
    %c0_i32 = arith.constant 0 : i32
    %c0_i32_0 = arith.constant 0 : i32
    return %c0_i32, %arg0 : i32, i32
  }
  func.func @transform_3(%arg0: i32) -> (i32, i32) {
    %c0_i32 = arith.constant 0 : i32
    %c0_i32_0 = arith.constant 0 : i32
    return %arg0, %c0_i32 : i32, i32
  }
  func.func @transform_4(%arg0: i32) -> i32 {
    %c0_i32 = arith.constant 0 : i32
    return %arg0 : i32
  }
}

module attributes {stable_mosaic.version = 14 : i64} {
  func.func @_finalize(%arg0: i32, %arg1: memref<2x2048x128xf32, #tpu.memory_space<vmem>>, %arg2: memref<2048x256xf32, #tpu.memory_space<vmem>>, %arg3: memref<2048xf32, #tpu.memory_space<vmem>>, %arg4: memref<2048x256xf32, #tpu.memory_space<vmem>>) attributes {dimension_semantics = [#tpu.dimension_semantics<arbitrary>], iteration_bounds = array<i64: 5>, scalar_prefetch = 0 : i64, scratch_operands = 0 : i64, tpu.core_type = #tpu.core_type<tc>, window_params = [{transform_indices = @transform_0, window_bounds = array<i64: 2, 2048, 128>}, {transform_indices = @transform_1, window_bounds = array<i64: 2048, 256>}, {transform_indices = @transform_2, window_bounds = array<i64: 2048>}, {transform_indices = @transform_3, window_bounds = array<i64: 2048, 256>}]} {
    %get3A = arith.constant 0 : index
    %get3A_0 = vector.load %arg3[%get3A] : memref<2048xf32, #tpu.memory_space<vmem>>, vector<2048xf32>
    %broadcast_in_dim3A = vector.shape_cast %get3A_0 : vector<2048xf32> to vector<2048x1xf32>
    %get3A_1 = arith.constant 0 : index
    %get3A_2 = arith.constant 0 : index
    %get3A_3 = arith.constant 0 : index
    %get3A_4 = vector.load %arg1[%get3A_1, %get3A_2, %get3A_3] : memref<2x2048x128xf32, #tpu.memory_space<vmem>>, vector<1x2048x128xf32>
    %get3A_5 = vector.shape_cast %get3A_4 : vector<1x2048x128xf32> to vector<2048x128xf32>
    %get3A_6 = arith.constant 0 : index
    %get3A_7 = arith.constant 0 : index
    %get3A_8 = vector.load %arg2[%get3A_6, %get3A_7] : memref<2048x256xf32, #tpu.memory_space<vmem>>, vector<2048x128xf32>
    %add3A = arith.addf %get3A_5, %get3A_8 : vector<2048x128xf32>
    %mul3A = vector.broadcast %broadcast_in_dim3A : vector<2048x1xf32> to vector<2048x128xf32>
    %mul3A_9 = arith.mulf %mul3A, %add3A : vector<2048x128xf32>
    %swap3A = arith.constant 0 : index
    %swap3A_10 = arith.constant 0 : index
    %swap3A_11 = vector.load %arg4[%swap3A, %swap3A_10] : memref<2048x256xf32, #tpu.memory_space<vmem>>, vector<2048x128xf32>
    tpu.vector_store %arg4[%swap3A, %swap3A_10], %mul3A_9 {strides = array<i32>} : memref<2048x256xf32, #tpu.memory_space<vmem>>, vector<2048x128xf32>,
    %get3A_12 = arith.constant 1 : index
    %get3A_13 = arith.constant 0 : index
    %get3A_14 = arith.constant 0 : index
    %get3A_15 = vector.load %arg1[%get3A_12, %get3A_13, %get3A_14] : memref<2x2048x128xf32, #tpu.memory_space<vmem>>, vector<1x2048x128xf32>
    %get3A_16 = vector.shape_cast %get3A_15 : vector<1x2048x128xf32> to vector<2048x128xf32>
    %get3A_17 = arith.constant 0 : index
    %get3A_18 = arith.constant 128 : index
    %get3A_19 = vector.load %arg2[%get3A_17, %get3A_18] : memref<2048x256xf32, #tpu.memory_space<vmem>>, vector<2048x128xf32>
    %add3A_20 = arith.addf %get3A_16, %get3A_19 : vector<2048x128xf32>
    %mul3A_21 = vector.broadcast %broadcast_in_dim3A : vector<2048x1xf32> to vector<2048x128xf32>
    %mul3A_22 = arith.mulf %mul3A_21, %add3A_20 : vector<2048x128xf32>
    %swap3A_23 = arith.constant 0 : index
    %swap3A_24 = arith.constant 128 : index
    %swap3A_25 = vector.load %arg4[%swap3A_23, %swap3A_24] : memref<2048x256xf32, #tpu.memory_space<vmem>>, vector<2048x128xf32>
    tpu.vector_store %arg4[%swap3A_23, %swap3A_24], %mul3A_22 {strides = array<i32>} : memref<2048x256xf32, #tpu.memory_space<vmem>>, vector<2048x128xf32>,
    return
  }
  func.func @transform_0(%arg0: i32) -> (i32, i32, i32) {
    %c0_i32 = arith.constant 0 : i32
    %c0_i32_0 = arith.constant 0 : i32
    %c0_i32_1 = arith.constant 0 : i32
    return %c0_i32, %arg0, %c0_i32_0 : i32, i32, i32
  }
  func.func @transform_1(%arg0: i32) -> (i32, i32) {
    %c0_i32 = arith.constant 0 : i32
    %c0_i32_0 = arith.constant 0 : i32
    return %arg0, %c0_i32 : i32, i32
  }
  func.func @transform_2(%arg0: i32) -> i32 {
    %c0_i32 = arith.constant 0 : i32
    return %arg0 : i32
  }
  func.func @transform_3(%arg0: i32) -> (i32, i32) {
    %c0_i32 = arith.constant 0 : i32
    %c0_i32_0 = arith.constant 0 : i32
    return %arg0, %c0_i32 : i32, i32
  }
}

</mosaic_0001>

<sc_bundles>
// kernel: kernel.6.cloned.1.call-start
scs
__scs_entry_jumppad:
0x0: {  	(pc) =	sbr.rel $0x88, $3  }
0x1: {  	(tag) =	ssettag $0x0;
	lr =	simm.s32 $0x1  }
0x2: {  	[smem:$0x3F9E] =	sst lr;
	_ =	strace $0xD0000000  }
0x3: {  	_ = 	snop  }
0x4: {  	_ = 	snop  }
0x5: {  	_ = 	snop  }
0x6: {  	_ = 	snop  }
0x7: {  	_ = 	snop  }
__scs_overlays_trampoline_lowered:
0x8: {  	[smem:$0x3FAD] =	sst s0  }
0x9: {  	[smem:$0x3FAE] =	sst s1  }
0xa: {  	[smem:$0x3FAF] =	sst s2  }
0xb: {  	[smem:$0x3FB0] =	sst s3  }
0xc: {  	[smem:$0x3FB1] =	sst s4  }
0xd: {  	[smem:$0x3FB2] =	sst s5  }
0xe: {  	[smem:$0x3FB3] =	sst s6  }
0xf: {  	[smem:$0x3FB4] =	sst s7  }
0x10: {  	[smem:$0x3FB5] =	sst s8  }
0x11: {  	[smem:$0x3FB6] =	sst s9;
	s0 =	simm.s32 @!p0 $0x0  }
0x12: {  	s1 =	sld [smem:$0x3F9C];
	s0 =	simm.s32 @p0 $0x1  }
0x13: {  	[smem:$0x3FB7] =	sst s0;
	s0 =	simm.s32 @!p1 $0x0  }
0x14: {  	s2 =	sld [smem:$0x3F9B];
	s0 =	simm.s32 @p1 $0x1  }
0x15: {  	[smem:$0x3FB8] =	sst s0;
	s0 =	simm.s32 @!p2 $0x0  }
0x16: {  	s3 =	sld [smem:$0x3FDB];
	s0 =	simm.s32 @p2 $0x1  }
0x17: {  	s4 =	simm.s32 $0x1BF5;
	[smem:$0x3FBA] =	sst s0  }
0x18: {  	s0 =	sld [smem:$0x3F9D];
	_ =	swait.ge [sflag:s4], $0x0  }
0x19: {  	s7 =	sld [smem:$0x3F9E]  }
0x1a: {  	s8 =	sadd.s32 $0xFFFFE003, lr  }
0x1b: {  	s9 =	sadd.s32 $0xFFFFFEF7, lr;
	s5 =	simm.s32 $0xFFFFFFFF;
	p2 =	slt.u32 s8, $0xFFFFF086  }
0x1c: {  	p1 =	slt.u32 s9, $0xF7A;
	s5 =	simm.s32 @!p2 $0x0  }
0x1d: {  	s5 =	simm.s32 @p1 $0x1;
	p0 =	seq.s32 s7, s2  }
0x1e: {  	s7 =	smul.u32 @!p0 $0xF7A, s2;
	p2 =	seq.s32 @!p0 s5, $0x0  }
0x1f: {  	s9 =	smul.u32 $0xF7A, s1;
	s8 =	simm.s32 @!p0 $0x1BF5;
	p2 =	por !p2, p0  }
0x20: {  	[sflag:s8] =	ssyncset.s32 @!p0 $0xFFFFF086;
	s6 =	sadd.s32 @!p0 s3, s7;
	s7 =	simm.s32 @!p0 $0x108  }
0x21: {  	s3 =	sadd.s32 s3, s9;
	s6 =	sadd.s32 @!p0 $0x88, s6;
	s7 =	simm.s32 @p2 $0x1082  }
0x22: {  	[simem:s7], [sflag:s8] =	dma.local @!p0 [hbm:s6], $0xF7A  }
0x23: {  	s9 =	sor.u32 $0xD0000000, s2;
	s6 =	simm.s32 $0x108;
	_ =	swait.ge @!p0 [sflag:s8], $0x0  }
0x24: {  	s3 =	sadd.s32 $0x88, s3;
	s6 =	simm.s32 @!p1 $0x1082;
	[sflag:s4] =	ssyncset.s32 $0xFFFFF086  }
0x25: {  	[simem:s6], [sflag:s4] =	dma.local [hbm:s3], $0xF7A  }
0x26: {  	[smem:$0x3F9E] =	sst s1;
	(tag) =	ssettag s2;
	_ =	strace s9  }
0x27: {  	s1 =	sld [smem:$0x3FAE]  }
0x28: {  	s2 =	sld [smem:$0x3FAF]  }
0x29: {  	s4 =	sld [smem:$0x3FB1]  }
0x2a: {  	p0 =	seq.s32 s5, $0x0;
	s5 =	sld [smem:$0x3FB2]  }
0x2b: {  	s6 =	sld [smem:$0x3FB3]  }
0x2c: {  	s7 =	sld [smem:$0x3FB4]  }
0x2d: {  	s3 =	simm.s32 $0x108;
	s8 =	sld [smem:$0x3FB5]  }
0x2e: {  	s3 =	simm.s32 @!p0 $0x1082;
	s9 =	sld [smem:$0x3FB6]  }
0x2f: {  	lr =	sadd.s32 s0, s3;
	s0 =	sld [smem:$0x3FAD]  }
0x30: {  	s3 =	sld [smem:$0x3FB0]  }
0x31: {  	[smem:$0x3FB9] =	sst s10  }
0x32: {  	s10 =	sld [smem:$0x3FB7];
	_ =	sdelay $0x3  }
0x33: {  	p0 =	seq.s32 s10, $0x1;
	s10 =	sld [smem:$0x3FB9];
	_ =	sdelay $0x3  }
0x34: {  	[smem:$0x3FB9] =	sst s10  }
0x35: {  	s10 =	sld [smem:$0x3FB8];
	_ =	sdelay $0x3  }
0x36: {  	p1 =	seq.s32 s10, $0x1;
	s10 =	sld [smem:$0x3FB9];
	_ =	sdelay $0x3  }
0x37: {  	[smem:$0x3FB9] =	sst s10  }
0x38: {  	s10 =	sld [smem:$0x3FBA]  }
0x39: {  	_ = 	snop;
	(pc) =	sbr.ind lr, $3  }
0x3a: {  	_ = 	snop  }
0x3b: {  	_ = 	snop  }
0x3c: {  	p2 =	seq.s32 s10, $0x1;
	s10 =	sld [smem:$0x3FB9]  }
0x3d: {  	_ =	shalt  }
0x3e: {  	_ =	shalt  }
0x3f: {  	_ =	shalt  }
0x40: {  	_ =	shalt  }
0x41: {  	_ =	shalt  }
0x42: {  	_ =	shalt  }
0x43: {  	_ =	shalt  }
0x44: {  	_ =	shalt  }
0x45: {  	_ =	shalt  }
0x46: {  	_ =	shalt  }
0x47: {  	_ =	shalt  }
0x48: {  	_ =	shalt  }
0x49: {  	_ =	shalt  }
0x4a: {  	_ =	shalt  }
0x4b: {  	_ =	shalt  }
0x4c: {  	_ =	shalt  }
0x4d: {  	_ =	shalt  }
0x4e: {  	_ =	shalt  }
0x4f: {  	_ =	shalt  }
0x50: {  	_ =	shalt  }
0x51: {  	_ =	shalt  }
0x52: {  	_ =	shalt  }
0x53: {  	_ =	shalt  }
0x54: {  	_ =	shalt  }
0x55: {  	_ =	shalt  }
0x56: {  	_ =	shalt  }
0x57: {  	_ =	shalt  }
0x58: {  	_ =	shalt  }
0x59: {  	_ =	shalt  }
0x5a: {  	_ =	shalt  }
0x5b: {  	_ =	shalt  }
0x5c: {  	_ =	shalt  }
0x5d: {  	_ =	shalt  }
0x5e: {  	_ =	shalt  }
0x5f: {  	_ =	shalt  }
0x60: {  	_ =	shalt  }
0x61: {  	_ =	shalt  }
0x62: {  	_ =	shalt  }
0x63: {  	_ =	shalt  }
0x64: {  	_ =	shalt  }
0x65: {  	_ =	shalt  }
0x66: {  	_ =	shalt  }
0x67: {  	_ =	shalt  }
0x68: {  	_ =	shalt  }
0x69: {  	_ =	shalt  }
0x6a: {  	_ =	shalt  }
0x6b: {  	_ =	shalt  }
0x6c: {  	_ =	shalt  }
0x6d: {  	_ =	shalt  }
0x6e: {  	_ =	shalt  }
0x6f: {  	_ =	shalt  }
0x70: {  	_ =	shalt  }
0x71: {  	_ =	shalt  }
0x72: {  	_ =	shalt  }
0x73: {  	_ =	shalt  }
0x74: {  	_ =	shalt  }
0x75: {  	_ =	shalt  }
0x76: {  	_ =	shalt  }
0x77: {  	_ =	shalt  }
0x78: {  	_ =	shalt  }
0x79: {  	_ =	shalt  }
0x7a: {  	_ =	shalt  }
0x7b: {  	_ =	shalt  }
0x7c: {  	_ =	shalt  }
0x7d: {  	_ =	shalt  }
0x7e: {  	_ =	shalt  }
0x7f: {  	_ =	shalt  }
0x80: {  	_ =	shalt  }
0x81: {  	_ =	shalt  }
0x82: {  	_ =	shalt  }
0x83: {  	_ =	shalt  }
0x84: {  	_ =	shalt  }
0x85: {  	_ =	shalt  }
0x86: {  	_ =	shalt  }
0x87: {  	_ =	shalt  }
.Lfunc_end0:
.L_simem_size_0:
called_computation_lowered:
.L_overlay_start_0:
0x88: {  	s2 =	sld [smem:$0x3FD9]  }
0x89: {  	s3 =	sld [smem:$0x3FFE];
	_ =	sdelay $0x1  }
0x8a: {  	s1 =	srdreg.scid  }
0x8b: {  	s0 =	sand.u32 $0x1, s1  }
0x8c: {  	s16 =	sshll.u32 s0, $0xA;
	s2 =	sadd.s32 s3, s2  }
0x8d: {  	s2 =	sadd.s32 s2, s16  }
0x8e: {  	[smem:$0x3FC5] =	sst s2  }
0x8f: {  	_ = 	snop  }
0x90: {  	(tm) =	ssettm $0x1  }
0x91: {  	s17 =	sld [smem:$0x3FFB];
	_ =	sdelay $0x3  }
0x92: {  	_ =	strace s17  }
0x93: {  	s2 =	sld [smem:$0x3FFC];
	_ =	sdelay $0x3  }
0x94: {  	_ =	strace s2  }
0x95: {  	s2 =	sld [smem:$0x3FFD];
	_ =	sdelay $0x3  }
0x96: {  	_ =	strace s2  }
0x97: {  	_ =	strace $0x8FFFFFFF  }
0x98: {  	s18 =	sld [smem:$0x3FDB];
	_ =	sdelay $0x1  }
0x99: {  	s19 =	simm.s32 $_scs_section_size  }
0x9a: {  	s4 =	simm.s32 $_size__tile_overlayer_lowered;
	s5 =	simm.s32 $_tile_overlayer_lowered  }
0x9b: {  	s22 =	simm.s32 $0x1BFF;
	s21 =	sshll.u32 s5, $0x1;
	s2 =	sadd.s32 s19, s18  }
0x9c: {  	s6 =	simm.s32 $0x0;
	s20 =	sshll.u32 s4, $0x1;
	s4 =	sadd.s32 s21, s2  }
0x9d: {  	[timem:s6], [sflag:s22] =	dma.local [hbm:s4], s20  }
0x9e: {  	_ =	swait.ge [sflag:s22], s20  }
0x9f: {  	s3 =	ssub.s32 $0x0, s20;
	[sflag:s22] =	ssyncset.done $0x0  }
0xa0: {  	[sflag:s22] =	ssyncadd.s32 s3;
	_ =	sdelay $0x1  }
0xa1: {  	s23 =	simm.s32 $0x1B8B  }
0xa2: {  	_ =	swait.ge [sflag:s23], $0x1  }
0xa3: {  	[sflag:s23] =	ssyncset.done $0x0  }
0xa4: {  	s25 =	simm.s32 $0x1B8E;
	s24 =	sld [smem:$0x3FFE];
	[sflag:s23] =	ssyncadd.s32 $0xFFFFFFFF  }
0xa5: {  	s26 =	simm.s32 $execute0_lowered;
	[smem:$0x3FD2] =	sst s25  }
0xa6: {  	s4 =	sshll.u32 s26, $0x1;
	_ =	strace $0x80000046;
	[dreg:$0x1] =	wrdreg $0xFFFFFFFF  }
0xa7: {  	s28 =	simm.s32 $_size_execute0_lowered;
	s2 =	sadd.s32 s2, s4;
	[dreg:$0x0] =	wrdreg $0x0  }
0xa8: {  	s4 =	sshll.u32 s28, $0x1;
	[dreg:$0x2] =	wrdreg s2  }
0xa9: {  	[dreg:$0x3] =	wrdreg s4  }
0xaa: {  	[dreg:$0x4] =	wrdreg $0xC0  }
0xab: {  	_ =	task [dreg:s6], $0x5FFFF  }
0xac: {  	[dreg:$0x1] =	wrdreg $0xFFFFFFFF  }
0xad: {  	[dreg:$0x0] =	wrdreg $0x60  }
0xae: {  	[dreg:$0x2] =	wrdreg s24  }
0xaf: {  	[dreg:$0x3] =	wrdreg $0x17000  }
0xb0: {  	[dreg:$0x4] =	wrdreg $0x9  }
0xb1: {  	_ =	task.clear_ibuf [dreg:s6], $0x5FFFF;
	_ =	strace $0x90000046  }
0xb2: {  	s29 =	simm.s32 $0x9;
	_ =	strace $0x80000048  }
0xb3: {  	_ =	swait.ge [sflag:s29], $0x1  }
0xb4: {  	[sflag:s29] =	ssyncadd.s32 $0xFFFFFFFF  }
0xb5: {  	_ =	strace $0x90000048  }
0xb6: {  	_ =	sfence  }
0xb7: {  	s30 =	sld [smem:$0x0];
	_ =	sdelay $0x2  }
0xb8: {  	s31 =	sshll.u32 s1, $0xD;
	s1 =	sshrl.u32 s1, $0x2  }
0xb9: {  	s3 =	sand.u32 $0x4000, s31;
	s1 =	sadd.s32 s1, s30  }
0xba: {  	s0 =	sor.u32 s3, s0;
	s1 =	sshll.u32 s1, $0x11  }
0xbb: {  	s0 =	sor.u32 s1, s0  }
0xbc: {  	s0 =	sadd.s32 $0x8F2B, s0  }
0xbd: {  	[sflag:s0] =	ssyncadd.remote.s32 $0x1  }
0xbe: {  	_ =	sfence.sel $0xFFFF  }
0xbf: {  	[dreg:$0x0] =	wrdreg $0xFFFFFFFF;
	(pc) =	sbr.abs _section_cstart, $3  }
0xc0: {  	[dreg:$0x1] =	wrdreg $0xFFFFFFFF  }
0xc1: {  	_ =	task.clear_ibuf [dreg:s6], $0x2FFFF;
	_ =	strace $0x9FFFFFFF  }
0xc2: {  	(tm) =	ssettm $0x7FFFFFFF  }
0xc3: {  	_ =	shalt  }
tec
execute0_lowered:
.L_overlay_start_1:
0x0: {  	(tag) =	ssettag $0x1  }
0x1: {  	s6 =	rddreg [dreg:$0x0]  }
0x2: {  	s2 =	rddreg [dreg:$0x1]  }
0x3: {  	s0 =	srdreg.scid;
	s1 =	rddreg [dreg:$0x2]  }
0x4: {  	s3 =	simm.s32 $0x0;
	s10 =	simm.s32 $0x1680;
	s4 =	sand.u32 $0x1, s0  }
0x5: {  	s14 =	simm.s32 $0x20;
	s0 =	stileid.u32;
	s5 =	smul.u32 $0x14000, s4  }
0x6: {  	s15 =	simm.s32 $0x10;
	[smem:$0x7FF] =	sst s3;
	s7 =	smul.u32 $0x1400, s0  }
0x7: {  	s16 =	simm.s32 $0x0;
	s31 =	smul.u32 $0xA00, s0;
	_ =	strace $0x80000047  }
0x8: {  	s8 =	ssub.s32 $0x2, s4;
	s4 =	sshll.u32 s4, $0x4;
	s12 =	smul.u32 $0xA0, s0  }
0x9: {  	s13 =	sshll.u32 s0, $0x6;
	s9 =	sshrl.u32 s8, $0x1;
	s5 =	sadd.s32 s7, s5  }
0xa: {  	s7 =	sshrl.u32 s31, $0x2;
	s8 =	ssub.s32 s8, s9;
	s5 =	sshrl.u32 s5, $0x3  }
0xb: {  	s9 =	simm.s32 $0x80;
	s5 =	sadd.s32 s5, s6;
	s6 =	sadd.s32 s4, s6  }
0xc: {  	s4 =	sadd.s32 s7, s2;
	s7 =	simm.s32 $0x1400;
	s5 =	sadd.s32 $0xC00, s5  }
0xd: {  	s11 =	sadd.s32 $0x5C00, s6;
	s6 =	smax.u32 s8, $0x1;
	s8 =	simm.s32 $0x1  }
0xe: {  	v0 =	vimm.f32 $0.0e+00;
	v1 =	vimm.f32 $1.000000000e+00;
	s11 =	sadd.s32 s12, s11;
	s12 =	sor.u32 $0x1C01, s13;
	s13 =	sshrl.u32 s4, $0x3  }
.LBB2_1:
0xf: {  	[tilespmem:$0x1400] =	vst v0  }
0x10: {  	[tilespmem:$0x1410] =	vst v0  }
0x11: {  	[tilespmem:$0x1420] =	vst v0  }
0x12: {  	[tilespmem:$0x1430] =	vst v0  }
0x13: {  	[tilespmem:$0x1440] =	vst v0  }
0x14: {  	[tilespmem:$0x1450] =	vst v0  }
0x15: {  	[tilespmem:$0x1460] =	vst v0  }
0x16: {  	[tilespmem:$0x1470] =	vst v0  }
0x17: {  	[tilespmem:$0x1480] =	vst v0  }
0x18: {  	[tilespmem:$0x1490] =	vst v0  }
0x19: {  	[tilespmem:$0x14A0] =	vst v0  }
0x1a: {  	[tilespmem:$0x14B0] =	vst v0  }
0x1b: {  	[tilespmem:$0x14C0] =	vst v0  }
0x1c: {  	[tilespmem:$0x14D0] =	vst v0  }
0x1d: {  	[tilespmem:$0x14E0] =	vst v0  }
0x1e: {  	[tilespmem:$0x14F0] =	vst v0  }
0x1f: {  	[tilespmem:$0x1500] =	vst v0  }
0x20: {  	[tilespmem:$0x1510] =	vst v0  }
0x21: {  	[tilespmem:$0x1520] =	vst v0  }
0x22: {  	[tilespmem:$0x1530] =	vst v0  }
0x23: {  	[tilespmem:$0x1540] =	vst v0  }
0x24: {  	[tilespmem:$0x1550] =	vst v0  }
0x25: {  	[tilespmem:$0x1560] =	vst v0  }
0x26: {  	[tilespmem:$0x1570] =	vst v0  }
0x27: {  	[tilespmem:$0x1580] =	vst v0  }
0x28: {  	[tilespmem:$0x1590] =	vst v0  }
0x29: {  	[tilespmem:$0x15A0] =	vst v0  }
0x2a: {  	[tilespmem:$0x15B0] =	vst v0  }
0x2b: {  	[tilespmem:$0x15C0] =	vst v0  }
0x2c: {  	[tilespmem:$0x15D0] =	vst v0  }
0x2d: {  	[tilespmem:$0x15E0] =	vst v0  }
0x2e: {  	[tilespmem:$0x15F0] =	vst v0  }
0x2f: {  	[tilespmem:$0x1600] =	vst v0  }
0x30: {  	[tilespmem:$0x1610] =	vst v0  }
0x31: {  	[tilespmem:$0x1620] =	vst v0  }
0x32: {  	[tilespmem:$0x1630] =	vst v0  }
0x33: {  	[tilespmem:$0x1640] =	vst v0  }
0x34: {  	[tilespmem:$0x1650] =	vst v0  }
0x35: {  	[tilespmem:$0x1660] =	vst v0  }
0x36: {  	[tilespmem:$0x1670] =	vst v0  }
0x37: {  	[tilespmem:$0x1680] =	vst v1  }
0x38: {  	[tilespmem:$0x1690] =	vst v1  }
0x39: {  	[tilespmem:$0x16A0] =	vst v1  }
0x3a: {  	[tilespmem:$0x16B0] =	vst v1  }
0x3b: {  	[tilespmem:$0x16C0] =	vst v1  }
0x3c: {  	[tilespmem:$0x16D0] =	vst v1  }
0x3d: {  	[tilespmem:$0x16E0] =	vst v1  }
0x3e: {  	[tilespmem:$0x16F0] =	vst v1  }
0x3f: {  	[spmem:s4] =	stream.linear.scatter [tilespmem:s7], [sflag:$0x1], $0x280, $0x38;
	[tilespmem:$0x1980] =	vst v63  }
0x40: {  	_ =	swait.ge [sflag:s8], $0x280  }
0x41: {  	[sflag:s8] =	ssyncset.done $0x0  }
0x42: {  	[sflag:s8] =	ssyncadd.s32 $0xFFFFFD80  }
0x43: {  	[tilespmem:s3], [sflag:$0x1] =	stream.linear.gather [hbm4b:s5+s3], $0x1400, $0x38;
	[tilespmem:$0x1980] =	vst v63  }
0x44: {  	_ =	swait.ge [sflag:s8], $0x1400  }
0x45: {  	[sflag:s8] =	ssyncset.done $0x0  }
0x46: {  	[sflag:s8] =	ssyncadd.s32 $0xFFFFEC00  }
0x47: {  	s17 =	simm.s32 $0x0;
	[bflag:$0x0] =	sbarrier.arrive $0xFFFF  }
0x48: {  	[spmem:s2] =	stream.indirect.scatter.add.f32 [tilespmem:s10], [sflag:$0x1], $0x1, s17, s9, $0xb8;
	[tilespmem:$0x1980] =	vst v63  }
0x49: {  	_ =	swait.ge [sflag:s8], $0x80  }
0x4a: {  	s17 =	simm.s32 $0x200;
	[sflag:s8] =	ssyncset.done $0x0  }
.LBB2_2:
0x4b: {  	s18 =	sshra.s32 s17, $0x2;
	[sflag:s8] =	ssyncadd.s32 $0xFFFFFF80;
	p0 =	sne.s32 s17, $0x4E00  }
0x4c: {  	[spmem:s2] =	stream.indirect.scatter.add.f32 [tilespmem:s10], [sflag:$0x1], $0x1, s18, s9, $0xb8;
	[tilespmem:$0x1980] =	vst v63  }
.Ltmp0:
0x4d: {  	_ = 	snop;
	(pc) =	sbr.rel @p0 .LBB2_2-.Ltmp0, $4  }
0x4e: {  	_ = 	snop  }
0x4f: {  	s17 =	sadd.s32 $0x200, s17  }
0x50: {  	_ =	swait.ge [sflag:s8], $0x80  }
0x51: {  	[sflag:s8] =	ssyncset.done $0x0  }
0x52: {  	s16 =	sadd.s32 $0x1, s16  }
0x53: {  	[sflag:s8] =	ssyncadd.s32 $0xFFFFFF80;
	p0 =	sne.s32 s16, s6  }
.Ltmp1:
0x54: {  	[bflag:$0x0] =	sbarrier.arrive $0xFFFF;
	(pc) =	sbr.rel @p0 .LBB2_1-.Ltmp1, $4  }
0x55: {  	[hbm:s11@s14], [sflag:s12] =	dma.strided [spmem:s13@s15], $0x50, s8, $0x10   }
0x56: {  	_ =	swait.ge [sflag:s8], $0x50  }
0x57: {  	[sflag:s8] =	ssyncset.done $0x0  }
0x58: {  	[sflag:s8] =	ssyncadd.s32 $0xFFFFFFB0  }
0x59: {  	_ =	sfence.sel $0x180000  }
0x5a: {  	[bflag:$0x0] =	sbarrier.arrive $0xFFFF  }
0x5b: {  	p0 =	sne.s32 s0, $0x0;
	_ =	strace $0x90000047  }
0x5c: {  	s0 =	sadd.s32 @!p0 $0x100000, s1;
	[bflag:$0x2] =	sbarrier.arrive $0xFFFF  }
0x5d: {  	[sflag:s0] =	ssyncadd.tile.s32 @!p0 $0x1;
	_ =	shalt  }
.Lfunc_end2:
_tile_overlayer_lowered:
.L_overlay_start_2:
0x5e: {  	(tag) =	ssettag $0x2  }
0x5f: {  	s0 =	rddreg [dreg:$0x0];
	s2 =	stileid.u32  }
0x60: {  	s1 =	rddreg [dreg:$0x1];
	p0 =	sne.s32 s2, $0x0  }
0x61: {  	s3 =	rddreg [dreg:$0x2];
	[bflag:$0x3] =	sbarrier.arrive $0xFFFF;
	s2 =	simm.s32 @!p0 $0x1C01  }
0x62: {  	[timem:s3], [sflag:s2] =	dma.local @!p0 [hbm:s0], s1  }
0x63: {  	s0 =	simm.s32 @!p0 $0x1  }
0x64: {  	_ =	swait.ge @!p0 [sflag:s0], s1  }
0x65: {  	s1 =	ssub.s32 @!p0 $0x0, s1;
	[sflag:s0] =	ssyncset.done @!p0 $0x0  }
0x66: {  	[sflag:s0] =	ssyncadd.s32 @!p0 s1  }
0x67: {  	[bflag:$0x3] =	sbarrier.arrive $0xFFFF  }
0x68: {  	_ =	shalt  }

// kernel: kernel.9.cloned.1.call-start
scs
__scs_entry_jumppad:
0x0: {  	(pc) =	sbr.rel $0x88, $3  }
0x1: {  	(tag) =	ssettag $0x0;
	lr =	simm.s32 $0x1  }
0x2: {  	[smem:$0x3F9E] =	sst lr;
	_ =	strace $0xD0000000  }
0x3: {  	_ = 	snop  }
0x4: {  	_ = 	snop  }
0x5: {  	_ = 	snop  }
0x6: {  	_ = 	snop  }
0x7: {  	_ = 	snop  }
__scs_overlays_trampoline_lowered:
0x8: {  	[smem:$0x3FAD] =	sst s0  }
0x9: {  	[smem:$0x3FAE] =	sst s1  }
0xa: {  	[smem:$0x3FAF] =	sst s2  }
0xb: {  	[smem:$0x3FB0] =	sst s3  }
0xc: {  	[smem:$0x3FB1] =	sst s4  }
0xd: {  	[smem:$0x3FB2] =	sst s5  }
0xe: {  	[smem:$0x3FB3] =	sst s6  }
0xf: {  	[smem:$0x3FB4] =	sst s7  }
0x10: {  	[smem:$0x3FB5] =	sst s8  }
0x11: {  	[smem:$0x3FB6] =	sst s9;
	s0 =	simm.s32 @!p0 $0x0  }
0x12: {  	s1 =	sld [smem:$0x3F9C];
	s0 =	simm.s32 @p0 $0x1  }
0x13: {  	[smem:$0x3FB7] =	sst s0;
	s0 =	simm.s32 @!p1 $0x0  }
0x14: {  	s2 =	sld [smem:$0x3F9B];
	s0 =	simm.s32 @p1 $0x1  }
0x15: {  	[smem:$0x3FB8] =	sst s0;
	s0 =	simm.s32 @!p2 $0x0  }
0x16: {  	s3 =	sld [smem:$0x3FDB];
	s0 =	simm.s32 @p2 $0x1  }
0x17: {  	s4 =	simm.s32 $0x1BF5;
	[smem:$0x3FBA] =	sst s0  }
0x18: {  	s0 =	sld [smem:$0x3F9D];
	_ =	swait.ge [sflag:s4], $0x0  }
0x19: {  	s7 =	sld [smem:$0x3F9E]  }
0x1a: {  	s8 =	sadd.s32 $0xFFFFE003, lr  }
0x1b: {  	s9 =	sadd.s32 $0xFFFFFEF7, lr;
	s5 =	simm.s32 $0xFFFFFFFF;
	p2 =	slt.u32 s8, $0xFFFFF086  }
0x1c: {  	p1 =	slt.u32 s9, $0xF7A;
	s5 =	simm.s32 @!p2 $0x0  }
0x1d: {  	s5 =	simm.s32 @p1 $0x1;
	p0 =	seq.s32 s7, s2  }
0x1e: {  	s7 =	smul.u32 @!p0 $0xF7A, s2;
	p2 =	seq.s32 @!p0 s5, $0x0  }
0x1f: {  	s9 =	smul.u32 $0xF7A, s1;
	s8 =	simm.s32 @!p0 $0x1BF5;
	p2 =	por !p2, p0  }
0x20: {  	[sflag:s8] =	ssyncset.s32 @!p0 $0xFFFFF086;
	s6 =	sadd.s32 @!p0 s3, s7;
	s7 =	simm.s32 @!p0 $0x108  }
0x21: {  	s3 =	sadd.s32 s3, s9;
	s6 =	sadd.s32 @!p0 $0x88, s6;
	s7 =	simm.s32 @p2 $0x1082  }
0x22: {  	[simem:s7], [sflag:s8] =	dma.local @!p0 [hbm:s6], $0xF7A  }
0x23: {  	s9 =	sor.u32 $0xD0000000, s2;
	s6 =	simm.s32 $0x108;
	_ =	swait.ge @!p0 [sflag:s8], $0x0  }
0x24: {  	s3 =	sadd.s32 $0x88, s3;
	s6 =	simm.s32 @!p1 $0x1082;
	[sflag:s4] =	ssyncset.s32 $0xFFFFF086  }
0x25: {  	[simem:s6], [sflag:s4] =	dma.local [hbm:s3], $0xF7A  }
0x26: {  	[smem:$0x3F9E] =	sst s1;
	(tag) =	ssettag s2;
	_ =	strace s9  }
0x27: {  	s1 =	sld [smem:$0x3FAE]  }
0x28: {  	s2 =	sld [smem:$0x3FAF]  }
0x29: {  	s4 =	sld [smem:$0x3FB1]  }
0x2a: {  	p0 =	seq.s32 s5, $0x0;
	s5 =	sld [smem:$0x3FB2]  }
0x2b: {  	s6 =	sld [smem:$0x3FB3]  }
0x2c: {  	s7 =	sld [smem:$0x3FB4]  }
0x2d: {  	s3 =	simm.s32 $0x108;
	s8 =	sld [smem:$0x3FB5]  }
0x2e: {  	s3 =	simm.s32 @!p0 $0x1082;
	s9 =	sld [smem:$0x3FB6]  }
0x2f: {  	lr =	sadd.s32 s0, s3;
	s0 =	sld [smem:$0x3FAD]  }
0x30: {  	s3 =	sld [smem:$0x3FB0]  }
0x31: {  	[smem:$0x3FB9] =	sst s10  }
0x32: {  	s10 =	sld [smem:$0x3FB7];
	_ =	sdelay $0x3  }
0x33: {  	p0 =	seq.s32 s10, $0x1;
	s10 =	sld [smem:$0x3FB9];
	_ =	sdelay $0x3  }
0x34: {  	[smem:$0x3FB9] =	sst s10  }
0x35: {  	s10 =	sld [smem:$0x3FB8];
	_ =	sdelay $0x3  }
0x36: {  	p1 =	seq.s32 s10, $0x1;
	s10 =	sld [smem:$0x3FB9];
	_ =	sdelay $0x3  }
0x37: {  	[smem:$0x3FB9] =	sst s10  }
0x38: {  	s10 =	sld [smem:$0x3FBA]  }
0x39: {  	_ = 	snop;
	(pc) =	sbr.ind lr, $3  }
0x3a: {  	_ = 	snop  }
0x3b: {  	_ = 	snop  }
0x3c: {  	p2 =	seq.s32 s10, $0x1;
	s10 =	sld [smem:$0x3FB9]  }
0x3d: {  	_ =	shalt  }
0x3e: {  	_ =	shalt  }
0x3f: {  	_ =	shalt  }
0x40: {  	_ =	shalt  }
0x41: {  	_ =	shalt  }
0x42: {  	_ =	shalt  }
0x43: {  	_ =	shalt  }
0x44: {  	_ =	shalt  }
0x45: {  	_ =	shalt  }
0x46: {  	_ =	shalt  }
0x47: {  	_ =	shalt  }
0x48: {  	_ =	shalt  }
0x49: {  	_ =	shalt  }
0x4a: {  	_ =	shalt  }
0x4b: {  	_ =	shalt  }
0x4c: {  	_ =	shalt  }
0x4d: {  	_ =	shalt  }
0x4e: {  	_ =	shalt  }
0x4f: {  	_ =	shalt  }
0x50: {  	_ =	shalt  }
0x51: {  	_ =	shalt  }
0x52: {  	_ =	shalt  }
0x53: {  	_ =	shalt  }
0x54: {  	_ =	shalt  }
0x55: {  	_ =	shalt  }
0x56: {  	_ =	shalt  }
0x57: {  	_ =	shalt  }
0x58: {  	_ =	shalt  }
0x59: {  	_ =	shalt  }
0x5a: {  	_ =	shalt  }
0x5b: {  	_ =	shalt  }
0x5c: {  	_ =	shalt  }
0x5d: {  	_ =	shalt  }
0x5e: {  	_ =	shalt  }
0x5f: {  	_ =	shalt  }
0x60: {  	_ =	shalt  }
0x61: {  	_ =	shalt  }
0x62: {  	_ =	shalt  }
0x63: {  	_ =	shalt  }
0x64: {  	_ =	shalt  }
0x65: {  	_ =	shalt  }
0x66: {  	_ =	shalt  }
0x67: {  	_ =	shalt  }
0x68: {  	_ =	shalt  }
0x69: {  	_ =	shalt  }
0x6a: {  	_ =	shalt  }
0x6b: {  	_ =	shalt  }
0x6c: {  	_ =	shalt  }
0x6d: {  	_ =	shalt  }
0x6e: {  	_ =	shalt  }
0x6f: {  	_ =	shalt  }
0x70: {  	_ =	shalt  }
0x71: {  	_ =	shalt  }
0x72: {  	_ =	shalt  }
0x73: {  	_ =	shalt  }
0x74: {  	_ =	shalt  }
0x75: {  	_ =	shalt  }
0x76: {  	_ =	shalt  }
0x77: {  	_ =	shalt  }
0x78: {  	_ =	shalt  }
0x79: {  	_ =	shalt  }
0x7a: {  	_ =	shalt  }
0x7b: {  	_ =	shalt  }
0x7c: {  	_ =	shalt  }
0x7d: {  	_ =	shalt  }
0x7e: {  	_ =	shalt  }
0x7f: {  	_ =	shalt  }
0x80: {  	_ =	shalt  }
0x81: {  	_ =	shalt  }
0x82: {  	_ =	shalt  }
0x83: {  	_ =	shalt  }
0x84: {  	_ =	shalt  }
0x85: {  	_ =	shalt  }
0x86: {  	_ =	shalt  }
0x87: {  	_ =	shalt  }
.Lfunc_end0:
.L_simem_size_0:
called_computation.1_lowered:
.L_overlay_start_0:
0x88: {  	s2 =	sld [smem:$0x3FD9]  }
0x89: {  	s3 =	sld [smem:$0x3FFE];
	_ =	sdelay $0x1  }
0x8a: {  	s1 =	srdreg.scid  }
0x8b: {  	s0 =	sand.u32 $0x1, s1  }
0x8c: {  	s17 =	sshll.u32 s0, $0xA;
	s2 =	sadd.s32 s3, s2  }
0x8d: {  	s2 =	sadd.s32 s2, s17  }
0x8e: {  	[smem:$0x3FC5] =	sst s2  }
0x8f: {  	_ = 	snop  }
0x90: {  	s2 =	sld [smem:$0x3FD0];
	(tm) =	ssettm $0x1  }
0x91: {  	s18 =	sld [smem:$0x3FFB];
	_ =	sdelay $0x3  }
0x92: {  	_ =	strace s18  }
0x93: {  	s3 =	sld [smem:$0x3FFC];
	_ =	sdelay $0x3  }
0x94: {  	_ =	strace s3  }
0x95: {  	s3 =	sld [smem:$0x3FFD];
	_ =	sdelay $0x3  }
0x96: {  	_ =	strace s3  }
0x97: {  	_ =	strace $0x8FFFFFFF  }
0x98: {  	s19 =	sld [smem:$0x3FDB];
	_ =	sdelay $0x1  }
0x99: {  	s4 =	simm.s32 $_scs_section_size  }
0x9a: {  	s5 =	simm.s32 $_size__tile_overlayer_lowered;
	s6 =	simm.s32 $_tile_overlayer_lowered  }
0x9b: {  	s22 =	simm.s32 $0x1BFF;
	s21 =	sshll.u32 s6, $0x1;
	s3 =	sadd.s32 s4, s19  }
0x9c: {  	s7 =	simm.s32 $0x0;
	s20 =	sshll.u32 s5, $0x1;
	s5 =	sadd.s32 s21, s3  }
0x9d: {  	[timem:s7], [sflag:s22] =	dma.local [hbm:s5], s20  }
0x9e: {  	_ =	swait.ge [sflag:s22], s20  }
0x9f: {  	s4 =	ssub.s32 $0x0, s20;
	[sflag:s22] =	ssyncset.done $0x0  }
0xa0: {  	[sflag:s22] =	ssyncadd.s32 s4;
	_ =	sdelay $0x1  }
0xa1: {  	s23 =	simm.s32 $0x1B8B  }
0xa2: {  	_ =	swait.ge [sflag:s23], $0x1  }
0xa3: {  	[sflag:s23] =	ssyncset.done $0x0  }
0xa4: {  	s25 =	simm.s32 $0x1B8E;
	s24 =	sld [smem:$0x3FFE];
	[sflag:s23] =	ssyncadd.s32 $0xFFFFFFFF  }
0xa5: {  	s26 =	simm.s32 $execute0_lowered;
	[smem:$0x3FD2] =	sst s25  }
0xa6: {  	s5 =	sshll.u32 s26, $0x1;
	_ =	strace $0x80000049;
	[dreg:$0x1] =	wrdreg $0xFFFFFFFF  }
0xa7: {  	s28 =	simm.s32 $_size_execute0_lowered;
	s3 =	sadd.s32 s3, s5;
	[dreg:$0x0] =	wrdreg $0x0  }
0xa8: {  	s5 =	sshll.u32 s28, $0x1;
	[dreg:$0x2] =	wrdreg s3  }
0xa9: {  	[dreg:$0x3] =	wrdreg s5  }
0xaa: {  	[dreg:$0x4] =	wrdreg $0xC0  }
0xab: {  	_ =	task [dreg:s7], $0x5FFFF  }
0xac: {  	[dreg:$0x1] =	wrdreg $0xFFFFFFFF  }
0xad: {  	[dreg:$0x0] =	wrdreg $0x60  }
0xae: {  	[dreg:$0x2] =	wrdreg s24  }
0xaf: {  	[dreg:$0x3] =	wrdreg s2  }
0xb0: {  	[dreg:$0x4] =	wrdreg $0xA8000  }
0xb1: {  	[dreg:$0x5] =	wrdreg $0x9  }
0xb2: {  	_ =	task.clear_ibuf [dreg:s7], $0x6FFFF;
	_ =	strace $0x90000049  }
0xb3: {  	s29 =	simm.s32 $0x9;
	_ =	strace $0x8000004B  }
0xb4: {  	_ =	swait.ge [sflag:s29], $0x1  }
0xb5: {  	[sflag:s29] =	ssyncadd.s32 $0xFFFFFFFF  }
0xb6: {  	_ =	strace $0x9000004B  }
0xb7: {  	_ =	sfence  }
0xb8: {  	s30 =	sld [smem:$0x0];
	_ =	sdelay $0x2  }
0xb9: {  	s31 =	sshll.u32 s1, $0xD;
	s1 =	sshrl.u32 s1, $0x2  }
0xba: {  	s3 =	sand.u32 $0x4000, s31;
	s1 =	sadd.s32 s1, s30  }
0xbb: {  	s0 =	sor.u32 s3, s0;
	s1 =	sshll.u32 s1, $0x11  }
0xbc: {  	s0 =	sor.u32 s1, s0  }
0xbd: {  	s0 =	sadd.s32 $0x8F2B, s0  }
0xbe: {  	[sflag:s0] =	ssyncadd.remote.s32 $0x1  }
0xbf: {  	_ =	sfence.sel $0xFFFF  }
0xc0: {  	[dreg:$0x0] =	wrdreg $0xFFFFFFFF;
	(pc) =	sbr.abs _section_cstart, $3  }
0xc1: {  	[dreg:$0x1] =	wrdreg $0xFFFFFFFF  }
0xc2: {  	_ =	task.clear_ibuf [dreg:s7], $0x2FFFF;
	_ =	strace $0x9FFFFFFF  }
0xc3: {  	(tm) =	ssettm $0x7FFFFFFF  }
tec
execute0_lowered:
.L_overlay_start_1:
0x0: {  	(tag) =	ssettag $0x1  }
0x1: {  	s5 =	rddreg [dreg:$0x0]  }
0x2: {  	s10 =	rddreg [dreg:$0x1]  }
0x3: {  	s2 =	rddreg [dreg:$0x2]  }
0x4: {  	s0 =	rddreg [dreg:$0x3]  }
0x5: {  	s3 =	simm.s32 $0x0;
	s1 =	stileid.u32;
	s6 =	srdreg.scid  }
0x6: {  	s15 =	simm.s32 $0x1400;
	s16 =	simm.s32 $0x80;
	s17 =	simm.s32 $0x1  }
0x7: {  	s18 =	simm.s32 $0x6800;
	s19 =	simm.s32 $0x2;
	s20 =	simm.s32 $0x1380  }
0x8: {  	s21 =	simm.s32 $0x2700;
	s22 =	simm.s32 $0x2780;
	s23 =	smul.u32 $0x2800, s1  }
0x9: {  	[smem:$0x7FF] =	sst s3;
	s6 =	sand.u32 $0x1, s6;
	s7 =	smul.u32 $0x50000, s1  }
0xa: {  	s4 =	sadd.s32 $0x5B600, s5;
	s9 =	smul.u32 $0x28000, s6;
	s6 =	ssub.s32 $0x2, s6  }
0xb: {  	_ =	strace $0x8000004A;
	s8 =	sshrl.u32 s23, $0x3;
	s31 =	sshrl.u32 s6, $0x1  }
0xc: {  	s7 =	sshrl.u32 s7, $0x2;
	s11 =	sadd.s32 s8, s5;
	s12 =	sadd.s32 s9, s5  }
0xd: {  	s13 =	ssub.s32 s6, s31;
	s5 =	sadd.s32 s7, s2;
	s14 =	sadd.s32 s23, s9  }
0xe: {  	s6 =	sadd.s32 $0x4000, s5;
	s7 =	sadd.s32 $0x8000, s5;
	s8 =	sadd.s32 $0xC000, s5  }
0xf: {  	s9 =	sadd.s32 $0x10000, s5;
	s14 =	sshrl.u32 s14, $0x3;
	s11 =	sadd.s32 $0x6600, s11  }
0x10: {  	s24 =	sadd.s32 $0xAB600, s12;
	s12 =	smax.u32 s13, $0x1;
	s13 =	simm.s32 $0x2800  }
0x11: {  	v0 =	vimm.f32 $0.0e+00;
	s10 =	sadd.s32 s10, s14;
	s14 =	simm.s32 $0x3;
	s23 =	sadd.s32 s23, s24  }
.LBB2_1:
0x12: {  	s24 =	simm.s32 $0x0;
	s25 =	simm.s32 $0x200  }
.LBB2_2:
0x13: {  	p0 =	sne.s32 s25, $0xFE00;
	[tilespmem:s24+$0x2870] =	vst v0  }
0x14: {  	[tilespmem:s24+$0x2800] =	vst v0  }
0x15: {  	[tilespmem:s24+$0x2810] =	vst v0  }
.Ltmp0:
0x16: {  	[tilespmem:s24+$0x2820] =	vst v0;
	(pc) =	sbr.rel @p0 .LBB2_2-.Ltmp0, $4  }
0x17: {  	[tilespmem:s24+$0x2830] =	vst v0  }
0x18: {  	[tilespmem:s24+$0x2840] =	vst v0  }
0x19: {  	[tilespmem:s24+$0x2850] =	vst v0  }
0x1a: {  	[tilespmem:s24+$0x2860] =	vst v0;
	s24 =	sshra.s32 s25, $0x2;
	s25 =	sadd.s32 $0x200, s25  }
0x1b: {  	[tilespmem:s24+$0x2870] =	vst v0  }
0x1c: {  	[tilespmem:s24+$0x2800] =	vst v0  }
0x1d: {  	[tilespmem:s24+$0x2810] =	vst v0  }
0x1e: {  	[tilespmem:s24+$0x2820] =	vst v0  }
0x1f: {  	[tilespmem:s24+$0x2830] =	vst v0  }
0x20: {  	[tilespmem:s24+$0x2840] =	vst v0  }
0x21: {  	[tilespmem:s24+$0x2850] =	vst v0  }
0x22: {  	[tilespmem:s24+$0x2860] =	vst v0  }
0x23: {  	[spmem:s5] =	stream.linear.scatter [tilespmem:s13], [sflag:$0x3], $0x4000, $0x38;
	[tilespmem:$0x1E800] =	vst v63  }
0x24: {  	_ =	swait.ge [sflag:s14], $0x4000  }
0x25: {  	[sflag:s14] =	ssyncset.done $0x0  }
0x26: {  	[sflag:s14] =	ssyncadd.s32 $0xFFFFC000  }
0x27: {  	[spmem:s6] =	stream.linear.scatter [tilespmem:s13], [sflag:$0x3], $0x4000, $0x38;
	[tilespmem:$0x1E800] =	vst v63  }
0x28: {  	_ =	swait.ge [sflag:s14], $0x4000  }
0x29: {  	[sflag:s14] =	ssyncset.done $0x0  }
0x2a: {  	[sflag:s14] =	ssyncadd.s32 $0xFFFFC000  }
0x2b: {  	[spmem:s7] =	stream.linear.scatter [tilespmem:s13], [sflag:$0x3], $0x4000, $0x38;
	[tilespmem:$0x1E800] =	vst v63  }
0x2c: {  	_ =	swait.ge [sflag:s14], $0x4000  }
0x2d: {  	[sflag:s14] =	ssyncset.done $0x0  }
0x2e: {  	[sflag:s14] =	ssyncadd.s32 $0xFFFFC000  }
0x2f: {  	[spmem:s8] =	stream.linear.scatter [tilespmem:s13], [sflag:$0x3], $0x4000, $0x38;
	[tilespmem:$0x1E800] =	vst v63  }
0x30: {  	_ =	swait.ge [sflag:s14], $0x4000  }
0x31: {  	[sflag:s14] =	ssyncset.done $0x0  }
0x32: {  	[sflag:s14] =	ssyncadd.s32 $0xFFFFC000  }
0x33: {  	[spmem:s9] =	stream.linear.scatter [tilespmem:s13], [sflag:$0x3], $0x4000, $0x38;
	[tilespmem:$0x1E800] =	vst v63  }
0x34: {  	_ =	swait.ge [sflag:s14], $0x4000  }
0x35: {  	[sflag:s14] =	ssyncset.done $0x0  }
0x36: {  	[sflag:s14] =	ssyncadd.s32 $0xFFFFC000  }
0x37: {  	s26 =	simm.s32 $0x0;
	[bflag:$0x0] =	sbarrier.arrive $0xFFFF  }
0x38: {  	[tilespmem:s26], [sflag:$0x3] =	stream.linear.gather [hbm4b:s10+s26], $0x1400, $0x38;
	[tilespmem:$0x1E800] =	vst v63  }
0x39: {  	_ =	swait.ge [sflag:s14], $0x1400  }
0x3a: {  	[sflag:s14] =	ssyncset.done $0x0  }
0x3b: {  	[sflag:s14] =	ssyncadd.s32 $0xFFFFEC00  }
0x3c: {  	[tilespmem:s15], [sflag:$0x3] =	stream.linear.gather [hbm4b:s11+s26], $0x1400, $0x38;
	[tilespmem:$0x1E800] =	vst v63  }
0x3d: {  	_ =	swait.ge [sflag:s14], $0x1400  }
0x3e: {  	[sflag:s14] =	ssyncset.done $0x0  }
0x3f: {  	[sflag:s14] =	ssyncadd.s32 $0xFFFFEC00  }
0x40: {  	[tilespmem:s13], [sflag:$0x1] =	stream.indirect.gather [hbm4b:s4+s16], $0x80, s26, s16, $0xb8;
	[tilespmem:$0x1E800] =	vst v63  }
0x41: {  	_ =	swait.ge [sflag:s17], $0x4000  }
0x42: {  	[sflag:s17] =	ssyncset.done $0x0  }
0x43: {  	s28 =	simm.s32 $0x80;
	[sflag:s17] =	ssyncadd.s32 $0xFFFFC000  }
0x44: {  	[tilespmem:s18], [sflag:$0x2] =	stream.indirect.gather [hbm4b:s4+s16], $0x80, s28, s16, $0xb8;
	[tilespmem:$0x1E800] =	vst v63  }
0x45: {  	s29 =	simm.s32 $0x1400  }
0x46: {  	[spmem:s2] =	stream.indirect.scatter.add.f32 [tilespmem:s13], [sflag:$0x3], $0x80, s29, s16, $0xb8;
	[tilespmem:$0x1E800] =	vst v63  }
0x47: {  	_ =	swait.ge [sflag:s14], $0x4000  }
0x48: {  	[sflag:s14] =	ssyncset.done $0x0  }
0x49: {  	s30 =	simm.s32 $0x100;
	[sflag:s14] =	ssyncadd.s32 $0xFFFFC000  }
0x4a: {  	[tilespmem:s13], [sflag:$0x1] =	stream.indirect.gather [hbm4b:s4+s16], $0x80, s30, s16, $0xb8;
	[tilespmem:$0x1E800] =	vst v63  }
0x4b: {  	_ =	swait.ge [sflag:s19], $0x4000  }
0x4c: {  	[sflag:s19] =	ssyncset.done $0x0  }
0x4d: {  	s31 =	simm.s32 $0x1480;
	[sflag:s19] =	ssyncadd.s32 $0xFFFFC000  }
0x4e: {  	[spmem:s2] =	stream.indirect.scatter.add.f32 [tilespmem:s18], [sflag:$0x3], $0x80, s31, s16, $0xb8;
	[tilespmem:$0x1E800] =	vst v63  }
0x4f: {  	_ =	swait.ge [sflag:s14], $0x4000  }
0x50: {  	s24 =	simm.s32 $0x400;
	[sflag:s14] =	ssyncset.done $0x0  }
.LBB2_4:
0x51: {  	p0 =	sne.s32 s24, $0x4800  }
0x52: {  	[sflag:s14] =	ssyncadd.s32 $0xFFFFC000;
	s25 =	smov.u32 s24;
	s24 =	sadd.s32 $0x400, s24  }
0x53: {  	_ =	swait.ge [sflag:s17], $0x4000  }
0x54: {  	s25 =	sshra.s32 s25, $0x2;
	[sflag:s17] =	ssyncset.done $0x0  }
0x55: {  	s26 =	sadd.s32 $0x80, s25;
	[sflag:s17] =	ssyncadd.s32 $0xFFFFC000  }
0x56: {  	[tilespmem:s18], [sflag:$0x2] =	stream.indirect.gather [hbm4b:s4+s16], $0x80, s26, s16, $0xb8;
	[tilespmem:$0x1E800] =	vst v63  }
0x57: {  	s26 =	sadd.s32 $0x1400, s25  }
0x58: {  	[spmem:s2] =	stream.indirect.scatter.add.f32 [tilespmem:s13], [sflag:$0x3], $0x80, s26, s16, $0xb8;
	[tilespmem:$0x1E800] =	vst v63  }
0x59: {  	_ =	swait.ge [sflag:s14], $0x4000  }
0x5a: {  	[sflag:s14] =	ssyncset.done $0x0  }
0x5b: {  	s26 =	sadd.s32 $0x100, s25;
	[sflag:s14] =	ssyncadd.s32 $0xFFFFC000  }
0x5c: {  	[tilespmem:s13], [sflag:$0x1] =	stream.indirect.gather [hbm4b:s4+s16], $0x80, s26, s16, $0xb8;
	[tilespmem:$0x1E800] =	vst v63  }
0x5d: {  	_ =	swait.ge [sflag:s19], $0x4000  }
.Ltmp1:
0x5e: {  	[sflag:s19] =	ssyncset.done $0x0;
	(pc) =	sbr.rel @p0 .LBB2_4-.Ltmp1, $4  }
0x5f: {  	s25 =	sadd.s32 $0x1480, s25;
	[sflag:s19] =	ssyncadd.s32 $0xFFFFC000  }
0x60: {  	[spmem:s2] =	stream.indirect.scatter.add.f32 [tilespmem:s18], [sflag:$0x3], $0x80, s25, s16, $0xb8;
	[tilespmem:$0x1E800] =	vst v63  }
0x61: {  	_ =	swait.ge [sflag:s14], $0x4000  }
0x62: {  	[sflag:s14] =	ssyncset.done $0x0  }
0x63: {  	[sflag:s14] =	ssyncadd.s32 $0xFFFFC000  }
0x64: {  	_ =	swait.ge [sflag:s17], $0x4000  }
0x65: {  	[sflag:s17] =	ssyncset.done $0x0  }
0x66: {  	[sflag:s17] =	ssyncadd.s32 $0xFFFFC000  }
0x67: {  	[tilespmem:s18], [sflag:$0x2] =	stream.indirect.gather [hbm4b:s4+s16], $0x80, s20, s16, $0xb8;
	[tilespmem:$0x1E800] =	vst v63  }
0x68: {  	_ = 	snop  }
0x69: {  	[spmem:s2] =	stream.indirect.scatter.add.f32 [tilespmem:s13], [sflag:$0x3], $0x80, s21, s16, $0xb8;
	[tilespmem:$0x1E800] =	vst v63  }
0x6a: {  	_ =	swait.ge [sflag:s14], $0x4000  }
0x6b: {  	[sflag:s14] =	ssyncset.done $0x0  }
0x6c: {  	[sflag:s14] =	ssyncadd.s32 $0xFFFFC000  }
0x6d: {  	_ =	swait.ge [sflag:s19], $0x4000  }
0x6e: {  	[sflag:s19] =	ssyncset.done $0x0  }
0x6f: {  	[sflag:s19] =	ssyncadd.s32 $0xFFFFC000  }
0x70: {  	[spmem:s2] =	stream.indirect.scatter.add.f32 [tilespmem:s18], [sflag:$0x3], $0x80, s22, s16, $0xb8;
	[tilespmem:$0x1E800] =	vst v63  }
0x71: {  	_ =	swait.ge [sflag:s14], $0x4000  }
0x72: {  	[sflag:s14] =	ssyncset.done $0x0  }
0x73: {  	s24 =	sadd.s32 $0x280, s10;
	s25 =	simm.s32 $0x0;
	[sflag:s14] =	ssyncadd.s32 $0xFFFFC000  }
0x74: {  	[tilespmem:s25], [sflag:$0x3] =	stream.linear.gather [hbm4b:s24+s25], $0x1400, $0x38;
	[tilespmem:$0x1E800] =	vst v63  }
0x75: {  	_ =	swait.ge [sflag:s14], $0x1400  }
0x76: {  	[sflag:s14] =	ssyncset.done $0x0  }
0x77: {  	s26 =	sadd.s32 $0x280, s11;
	[sflag:s14] =	ssyncadd.s32 $0xFFFFEC00  }
0x78: {  	[tilespmem:s15], [sflag:$0x3] =	stream.linear.gather [hbm4b:s26+s25], $0x1400, $0x38;
	[tilespmem:$0x1E800] =	vst v63  }
0x79: {  	_ =	swait.ge [sflag:s14], $0x1400  }
0x7a: {  	[sflag:s14] =	ssyncset.done $0x0  }
0x7b: {  	[sflag:s14] =	ssyncadd.s32 $0xFFFFEC00  }
0x7c: {  	[tilespmem:s13], [sflag:$0x1] =	stream.indirect.gather [hbm4b:s4+s16], $0x80, s25, s16, $0xb8;
	[tilespmem:$0x1E800] =	vst v63  }
0x7d: {  	_ =	swait.ge [sflag:s17], $0x4000  }
0x7e: {  	[sflag:s17] =	ssyncset.done $0x0  }
0x7f: {  	s28 =	simm.s32 $0x80;
	[sflag:s17] =	ssyncadd.s32 $0xFFFFC000  }
0x80: {  	[tilespmem:s18], [sflag:$0x2] =	stream.indirect.gather [hbm4b:s4+s16], $0x80, s28, s16, $0xb8;
	[tilespmem:$0x1E800] =	vst v63  }
0x81: {  	s29 =	simm.s32 $0x1400  }
0x82: {  	[spmem:s2] =	stream.indirect.scatter.add.f32 [tilespmem:s13], [sflag:$0x3], $0x80, s29, s16, $0xb8;
	[tilespmem:$0x1E800] =	vst v63  }
0x83: {  	_ =	swait.ge [sflag:s14], $0x4000  }
0x84: {  	[sflag:s14] =	ssyncset.done $0x0  }
0x85: {  	s30 =	simm.s32 $0x100;
	[sflag:s14] =	ssyncadd.s32 $0xFFFFC000  }
0x86: {  	[tilespmem:s13], [sflag:$0x1] =	stream.indirect.gather [hbm4b:s4+s16], $0x80, s30, s16, $0xb8;
	[tilespmem:$0x1E800] =	vst v63  }
0x87: {  	_ =	swait.ge [sflag:s19], $0x4000  }
0x88: {  	[sflag:s19] =	ssyncset.done $0x0  }
0x89: {  	s31 =	simm.s32 $0x1480;
	[sflag:s19] =	ssyncadd.s32 $0xFFFFC000  }
0x8a: {  	[spmem:s2] =	stream.indirect.scatter.add.f32 [tilespmem:s18], [sflag:$0x3], $0x80, s31, s16, $0xb8;
	[tilespmem:$0x1E800] =	vst v63  }
0x8b: {  	_ =	swait.ge [sflag:s14], $0x4000  }
0x8c: {  	s24 =	simm.s32 $0x400;
	[sflag:s14] =	ssyncset.done $0x0  }
.LBB2_6:
0x8d: {  	p0 =	sne.s32 s24, $0x4800  }
0x8e: {  	[sflag:s14] =	ssyncadd.s32 $0xFFFFC000;
	s25 =	smov.u32 s24;
	s24 =	sadd.s32 $0x400, s24  }
0x8f: {  	_ =	swait.ge [sflag:s17], $0x4000  }
0x90: {  	s25 =	sshra.s32 s25, $0x2;
	[sflag:s17] =	ssyncset.done $0x0  }
0x91: {  	s26 =	sadd.s32 $0x80, s25;
	[sflag:s17] =	ssyncadd.s32 $0xFFFFC000  }
0x92: {  	[tilespmem:s18], [sflag:$0x2] =	stream.indirect.gather [hbm4b:s4+s16], $0x80, s26, s16, $0xb8;
	[tilespmem:$0x1E800] =	vst v63  }
0x93: {  	s26 =	sadd.s32 $0x1400, s25  }
0x94: {  	[spmem:s2] =	stream.indirect.scatter.add.f32 [tilespmem:s13], [sflag:$0x3], $0x80, s26, s16, $0xb8;
	[tilespmem:$0x1E800] =	vst v63  }
0x95: {  	_ =	swait.ge [sflag:s14], $0x4000  }
0x96: {  	[sflag:s14] =	ssyncset.done $0x0  }
0x97: {  	s26 =	sadd.s32 $0x100, s25;
	[sflag:s14] =	ssyncadd.s32 $0xFFFFC000  }
0x98: {  	[tilespmem:s13], [sflag:$0x1] =	stream.indirect.gather [hbm4b:s4+s16], $0x80, s26, s16, $0xb8;
	[tilespmem:$0x1E800] =	vst v63  }
0x99: {  	_ =	swait.ge [sflag:s19], $0x4000  }
.Ltmp2:
0x9a: {  	[sflag:s19] =	ssyncset.done $0x0;
	(pc) =	sbr.rel @p0 .LBB2_6-.Ltmp2, $4  }
0x9b: {  	s25 =	sadd.s32 $0x1480, s25;
	[sflag:s19] =	ssyncadd.s32 $0xFFFFC000  }
0x9c: {  	[spmem:s2] =	stream.indirect.scatter.add.f32 [tilespmem:s18], [sflag:$0x3], $0x80, s25, s16, $0xb8;
	[tilespmem:$0x1E800] =	vst v63  }
0x9d: {  	_ =	swait.ge [sflag:s14], $0x4000  }
0x9e: {  	[sflag:s14] =	ssyncset.done $0x0  }
0x9f: {  	[sflag:s14] =	ssyncadd.s32 $0xFFFFC000  }
0xa0: {  	_ =	swait.ge [sflag:s17], $0x4000  }
0xa1: {  	[sflag:s17] =	ssyncset.done $0x0  }
0xa2: {  	[sflag:s17] =	ssyncadd.s32 $0xFFFFC000  }
0xa3: {  	[tilespmem:s18], [sflag:$0x2] =	stream.indirect.gather [hbm4b:s4+s16], $0x80, s20, s16, $0xb8;
	[tilespmem:$0x1E800] =	vst v63  }
0xa4: {  	_ = 	snop  }
0xa5: {  	[spmem:s2] =	stream.indirect.scatter.add.f32 [tilespmem:s13], [sflag:$0x3], $0x80, s21, s16, $0xb8;
	[tilespmem:$0x1E800] =	vst v63  }
0xa6: {  	_ =	swait.ge [sflag:s14], $0x4000  }
0xa7: {  	[sflag:s14] =	ssyncset.done $0x0  }
0xa8: {  	[sflag:s14] =	ssyncadd.s32 $0xFFFFC000  }
0xa9: {  	_ =	swait.ge [sflag:s19], $0x4000  }
0xaa: {  	[sflag:s19] =	ssyncset.done $0x0  }
0xab: {  	[sflag:s19] =	ssyncadd.s32 $0xFFFFC000  }
0xac: {  	[spmem:s2] =	stream.indirect.scatter.add.f32 [tilespmem:s18], [sflag:$0x3], $0x80, s22, s16, $0xb8;
	[tilespmem:$0x1E800] =	vst v63  }
0xad: {  	_ =	swait.ge [sflag:s14], $0x4000  }
0xae: {  	s24 =	sshll.u32 s1, $0x6;
	s3 =	sadd.s32 $0x1, s3;
	[sflag:s14] =	ssyncset.done $0x0  }
0xaf: {  	s25 =	sshrl.u32 s5, $0x3;
	p0 =	sne.s32 s3, s12;
	[sflag:s14] =	ssyncadd.s32 $0xFFFFC000  }
.Ltmp3:
0xb0: {  	s24 =	sor.u32 $0x1C03, s24;
	[bflag:$0x0] =	sbarrier.arrive $0xFFFF;
	(pc) =	sbr.rel @p0 .LBB2_1-.Ltmp3, $4  }
0xb1: {  	[hbm:s23], [sflag:s24] =	dma.local [spmem:s25], $0x2800  }
0xb2: {  	_ =	swait.ge [sflag:s14], $0x2800  }
0xb3: {  	[sflag:s14] =	ssyncset.done $0x0  }
0xb4: {  	[sflag:s14] =	ssyncadd.s32 $0xFFFFD800  }
0xb5: {  	_ =	sfence.sel $0x180000  }
0xb6: {  	[bflag:$0x0] =	sbarrier.arrive $0xFFFF  }
0xb7: {  	p0 =	sne.s32 s1, $0x0;
	_ =	strace $0x9000004A  }
0xb8: {  	s0 =	sadd.s32 @!p0 $0x100000, s0;
	[bflag:$0x2] =	sbarrier.arrive $0xFFFF  }
0xb9: {  	[sflag:s0] =	ssyncadd.tile.s32 @!p0 $0x1;
	_ =	shalt  }
.Lfunc_end2:
_tile_overlayer_lowered:
.L_overlay_start_2:
0xba: {  	(tag) =	ssettag $0x2  }
0xbb: {  	s0 =	rddreg [dreg:$0x0];
	s2 =	stileid.u32  }
0xbc: {  	s1 =	rddreg [dreg:$0x1];
	p0 =	sne.s32 s2, $0x0  }
0xbd: {  	s3 =	rddreg [dreg:$0x2];
	[bflag:$0x3] =	sbarrier.arrive $0xFFFF;
	s2 =	simm.s32 @!p0 $0x1C03  }
0xbe: {  	[timem:s3], [sflag:s2] =	dma.local @!p0 [hbm:s0], s1  }
0xbf: {  	s0 =	simm.s32 @!p0 $0x3  }
0xc0: {  	_ =	swait.ge @!p0 [sflag:s0], s1  }
0xc1: {  	s1 =	ssub.s32 @!p0 $0x0, s1;
	[sflag:s0] =	ssyncset.done @!p0 $0x0  }
0xc2: {  	[sflag:s0] =	ssyncadd.s32 @!p0 s1  }
0xc3: {  	[bflag:$0x3] =	sbarrier.arrive $0xFFFF  }
0xc4: {  	_ =	shalt  }

</sc_bundles>
